<compile_context>
chip_gen: v7x
topology: tpu7x:2x2x1
jax: 0.10.2.dev20260603
libtpu: 0.0.44.dev20260713+nightly
codegen_flags: <defaults>
</compile_context>

<pallas_src>
import functools

import jax
import jax.numpy as jnp
from jax import lax
from jax.experimental import pallas as pl
from jax.experimental.pallas import tpu as pltpu
from jax.experimental.pallas import tpu_sc as plsc

_BATCH = 16384
_HIST = 200
_VOCAB = 1000
_EMB = 128

_TOTAL = _BATCH * _HIST
_CHUNK = 80
_NBUF = 8
_NPAIR = 4
_PROWS = 2 * _CHUNK
_NW = 32
_PER_W = _TOTAL // _NW

_HB = 10240
_CPH = _HB // _CHUNK
_NHALF = _PER_W // _HB
_NCHUNK = _PER_W // _CHUNK
_BODIES = (_NCHUNK - _NBUF) // _NBUF
_BPH = _CPH // _NBUF


def _sc_gather(idx1d, table):
    mesh = plsc.VectorSubcoreMesh(core_axis_name="c", subcore_axis_name="s")
    nc = mesh.num_cores

    @functools.partial(
        pl.kernel,
        out_type=jax.ShapeDtypeStruct((_TOTAL, _EMB), jnp.float32),
        mesh=mesh,
        scratch_types=[
            pltpu.VMEM((2 * _HB,), jnp.int32),
            pltpu.VMEM((_NBUF * _CHUNK, _EMB), jnp.float32),
            pltpu.VMEM_SHARED((_VOCAB, _EMB), jnp.float32),
            [pltpu.SemaphoreType.DMA] * _NBUF,
            [pltpu.SemaphoreType.DMA] * _NPAIR,
            pltpu.SemaphoreType.DMA,
        ],
    )
    def body(table_hbm, idx_hbm, out_hbm, idx_v, rows_v, table_sp,
             gsems, ssems, isem):
        cid = lax.axis_index("c")
        sid = lax.axis_index("s")
        wid = sid * nc + cid
        base = wid * _PER_W

        @pl.when(sid == 0)
        def _():
            pltpu.sync_copy(table_hbm, table_sp)

        plsc.subcore_barrier()

        def idx_off(c):
            return ((c >> 7) & 1) * _HB + (c & (_CPH - 1)) * _CHUNK

        def gather(c, buf):
            pltpu.async_copy(
                table_sp.at[idx_v.at[pl.ds(idx_off(c), _CHUNK)]],
                rows_v.at[pl.ds(buf * _CHUNK, _CHUNK)],
                gsems[buf],
            )

        def wait_g(buf):
            pltpu.make_async_copy(
                out_hbm.at[pl.ds(0, _CHUNK)],
                rows_v.at[pl.ds(buf * _CHUNK, _CHUNK)],
                gsems[buf],
            ).wait()

        def store2(q, pair):
            pltpu.async_copy(
                rows_v.at[pl.ds(pair * _PROWS, _PROWS)],
                out_hbm.at[pl.ds(base + q * _PROWS, _PROWS)],
                ssems[pair],
            )

        def wait_s2(pair):
            pltpu.make_async_copy(
                rows_v.at[pl.ds(pair * _PROWS, _PROWS)],
                out_hbm.at[pl.ds(0, _PROWS)],
                ssems[pair],
            ).wait()

        def prefetch(h):
            pltpu.async_copy(
                idx_hbm.at[pl.ds(base + h * _HB, _HB)],
                idx_v.at[pl.ds((h & 1) * _HB, _HB)],
                isem,
            )

        def wait_prefetch():
            pltpu.make_async_copy(
                idx_hbm.at[pl.ds(0, _HB)],
                idx_v.at[pl.ds(0, _HB)],
                isem,
            ).wait()

        pltpu.sync_copy(idx_hbm.at[pl.ds(base, _HB)], idx_v.at[pl.ds(0, _HB)])
        prefetch(1)
        for b in range(_NBUF):
            gather(b, b)
        for p in range(2):
            wait_g(2 * p)
            wait_g(2 * p + 1)
            store2(p, p)

        def group(g, _):
            q0 = _NPAIR + g * _NPAIR

            @pl.when(g % _BPH == _BPH - 1)
            def _():
                wait_prefetch()

            for k in range(_NPAIR):
                q = q0 + k
                spair = (k + _NPAIR - 2) % _NPAIR
                wait_g(2 * spair)
                wait_g(2 * spair + 1)
                store2(q - 2, spair)
                wait_s2(k)
                gather(2 * q, 2 * k)
                gather(2 * q + 1, 2 * k + 1)

            m = g // _BPH
            @pl.when(jnp.logical_and(g % _BPH == 0,
                                     jnp.logical_and(g >= _BPH,
                                                     m <= _NHALF - 2)))
            def _():
                pltpu.async_copy(
                    idx_hbm.at[pl.ds(base + (m + 1) * _HB, _HB)],
                    idx_v.at[pl.ds(((m + 1) & 1) * _HB, _HB)],
                    isem,
                )
            return 0

        lax.fori_loop(0, _BODIES, group, 0)

        npairs = _NCHUNK // 2
        for j in range(2):
            q = npairs - 2 + j
            pair = q % _NPAIR
            wait_g(2 * pair)
            wait_g(2 * pair + 1)
            store2(q, pair)
        for p in range(_NPAIR):
            wait_s2(p)

    return body(table, idx1d)


def kernel(indices, species):
    idx1d = indices.reshape(_TOTAL).astype(jnp.int32)
    out = _sc_gather(idx1d, species)
    return out.reshape(_BATCH, _HIST, _EMB)

# --- scband reference (transcript-rebuilt; emitter-appended) ---
"""Pipeline reference for scband-pok-emb-45535243272626 (READ-ONLY COPY).

The authoritative reference and input builder live on the scoring server;
editing this copy changes nothing except your own understanding.
"""

import jax, jax.numpy as jnp
import numpy as np

BATCH = 16384
HIST = 200
VOCAB = 1000
EMB = 128


def setup_inputs(seed: int = 0) -> dict:
    key = jax.random.key(seed)
    k1, k2 = jax.random.split(key)
    indices = jax.random.randint(k1, (BATCH, HIST), 0, VOCAB)
    species = jax.random.normal(k2, (VOCAB, EMB), dtype=jnp.float32)
    return {"indices": indices, "species": species}


def reference(indices, species):
    # PokEmb.forward -> species embedding lookup (nn.Embedding.from_pretrained)
    return jnp.take(species, indices, axis=0)

if __name__ == "__main__":
    import jax
    _d = setup_inputs()
    print(jax.jit(kernel)(*tuple(_d.values())))

</pallas_src>

<mosaic_0001>
#map = affine_map<(d0, d1) -> (0, 0)>
#map1 = affine_map<(d0, d1) -> (0)>
module attributes {stable_mosaic.version = 14 : i64} {
  func.func @body(%arg0: i32, %arg1: i32, %arg2: memref<1000x128xf32, #tpu.memory_space<hbm>>, %arg3: memref<3276800xi32, #tpu.memory_space<hbm>>, %arg4: memref<3276800x128xf32, #tpu.memory_space<hbm>>, %arg5: memref<20480xi32, #tpu.memory_space<vmem>>, %arg6: memref<640x128xf32, #tpu.memory_space<vmem>>, %arg7: memref<1000x128xf32, #tpu.memory_space<vmem_shared>>, %arg8: memref<!tpu.dma_semaphore, #tpu.memory_space<semaphore_mem>>, %arg9: memref<!tpu.dma_semaphore, #tpu.memory_space<semaphore_mem>>, %arg10: memref<!tpu.dma_semaphore, #tpu.memory_space<semaphore_mem>>, %arg11: memref<!tpu.dma_semaphore, #tpu.memory_space<semaphore_mem>>, %arg12: memref<!tpu.dma_semaphore, #tpu.memory_space<semaphore_mem>>, %arg13: memref<!tpu.dma_semaphore, #tpu.memory_space<semaphore_mem>>, %arg14: memref<!tpu.dma_semaphore, #tpu.memory_space<semaphore_mem>>, %arg15: memref<!tpu.dma_semaphore, #tpu.memory_space<semaphore_mem>>, %arg16: memref<!tpu.dma_semaphore, #tpu.memory_space<semaphore_mem>>, %arg17: memref<!tpu.dma_semaphore, #tpu.memory_space<semaphore_mem>>, %arg18: memref<!tpu.dma_semaphore, #tpu.memory_space<semaphore_mem>>, %arg19: memref<!tpu.dma_semaphore, #tpu.memory_space<semaphore_mem>>, %arg20: memref<!tpu.dma_semaphore, #tpu.memory_space<semaphore_mem>>) attributes {dimension_semantics = [#tpu.dimension_semantics<core_parallel>, #tpu.dimension_semantics<subcore_parallel>], iteration_bounds = array<i64: 2, 16>, scalar_prefetch = 0 : i64, scratch_operands = 16 : i64, tpu.core_type = #tpu.core_type<sc_vector_subcore>, window_params = [{transform_indices = #map}, {transform_indices = #map1}, {transform_indices = #map}]} {
    %mul3A = arith.constant 2 : i32
    %mul3A_0 = arith.muli %arg1, %mul3A : i32
    %add3A = arith.addi %mul3A_0, %arg0 : i32
    %mul3A_1 = arith.constant 102400 : i32
    %mul3A_2 = arith.muli %add3A, %mul3A_1 : i32
    %eq3A = arith.constant 0 : i32
    %eq3A_3 = arith.cmpi eq, %arg1, %eq3A : i32
    %convert_element_type3A = arith.extui %eq3A_3 : i1 to i32
    %cond3A = arith.constant 0 : i32
    %cond3A_4 = arith.cmpi ne, %convert_element_type3A, %cond3A : i32
    scf.if %cond3A_4 {
      "tpu.region"() ({
        %run_scoped3A = tpu.sem_alloc : memref<!tpu.dma_semaphore, #tpu.memory_space<semaphore_mem>>
        tpu.enqueue_dma source(%arg2 : memref<1000x128xf32, #tpu.memory_space<hbm>>) target(%arg7 : memref<1000x128xf32, #tpu.memory_space<vmem_shared>>) target_semaphore(%run_scoped3A : memref<!tpu.dma_semaphore, #tpu.memory_space<semaphore_mem>>)
        tpu.wait_dma2 semaphore(%run_scoped3A : memref<!tpu.dma_semaphore, #tpu.memory_space<semaphore_mem>>) src(%arg2 : memref<1000x128xf32, #tpu.memory_space<hbm>>) dst(%arg7 : memref<1000x128xf32, #tpu.memory_space<vmem_shared>>)
        tpu.yield
      }) : () -> ()
    } else {
    }
    %barrier3A = arith.constant 0 : index
    tpu.barrier barrier_id(%barrier3A)
    "tpu.region"() ({
      %run_scoped3A = tpu.sem_alloc : memref<!tpu.dma_semaphore, #tpu.memory_space<semaphore_mem>>
      %dma_start3A_273 = arith.constant 0 : i32
      %dma_start3A_274 = tpu.memref_slice %arg5[%dma_start3A_273] : memref<20480xi32, #tpu.memory_space<vmem>> -> memref<10240xi32, #tpu.memory_space<vmem>>
      %dma_start3A_275 = tpu.memref_slice %arg3[%mul3A_2] : memref<3276800xi32, #tpu.memory_space<hbm>> -> memref<10240xi32, #tpu.memory_space<hbm>>
      %dma_start3A_276 = arith.constant 0 : i32
      %dma_start3A_277 = tpu.memref_slice %arg5[%dma_start3A_276] : memref<20480xi32, #tpu.memory_space<vmem>> -> memref<10240xi32, #tpu.memory_space<vmem>>
      %dma_start3A_278 = tpu.memref_slice %arg3[%mul3A_2] : memref<3276800xi32, #tpu.memory_space<hbm>> -> memref<10240xi32, #tpu.memory_space<hbm>>
      tpu.enqueue_dma source(%dma_start3A_278 : memref<10240xi32, #tpu.memory_space<hbm>>) target(%dma_start3A_277 : memref<10240xi32, #tpu.memory_space<vmem>>) target_semaphore(%run_scoped3A : memref<!tpu.dma_semaphore, #tpu.memory_space<semaphore_mem>>)
      %dma_wait3A_279 = arith.constant 0 : i32
      %dma_wait3A_280 = tpu.memref_slice %arg5[%dma_wait3A_279] : memref<20480xi32, #tpu.memory_space<vmem>> -> memref<10240xi32, #tpu.memory_space<vmem>>
      %dma_wait3A_281 = tpu.memref_slice %arg3[%mul3A_2] : memref<3276800xi32, #tpu.memory_space<hbm>> -> memref<10240xi32, #tpu.memory_space<hbm>>
      %dma_wait3A_282 = arith.constant 0 : i32
      %dma_wait3A_283 = tpu.memref_slice %arg5[%dma_wait3A_282] : memref<20480xi32, #tpu.memory_space<vmem>> -> memref<10240xi32, #tpu.memory_space<vmem>>
      %dma_wait3A_284 = tpu.memref_slice %arg3[%mul3A_2] : memref<3276800xi32, #tpu.memory_space<hbm>> -> memref<10240xi32, #tpu.memory_space<hbm>>
      tpu.wait_dma2 semaphore(%run_scoped3A : memref<!tpu.dma_semaphore, #tpu.memory_space<semaphore_mem>>) src(%dma_wait3A_284 : memref<10240xi32, #tpu.memory_space<hbm>>) dst(%dma_wait3A_283 : memref<10240xi32, #tpu.memory_space<vmem>>)
      tpu.yield
    }) : () -> ()
    %add3A_5 = arith.constant 10240 : i32
    %add3A_6 = arith.addi %mul3A_2, %add3A_5 : i32
    %dma_start3A = arith.constant 10240 : i32
    %dma_start3A_7 = tpu.memref_slice %arg5[%dma_start3A] : memref<20480xi32, #tpu.memory_space<vmem>> -> memref<10240xi32, #tpu.memory_space<vmem>>
    %dma_start3A_8 = tpu.memref_slice %arg3[%add3A_6] : memref<3276800xi32, #tpu.memory_space<hbm>> -> memref<10240xi32, #tpu.memory_space<hbm>>
    %dma_start3A_9 = arith.constant 10240 : i32
    %dma_start3A_10 = tpu.memref_slice %arg5[%dma_start3A_9] : memref<20480xi32, #tpu.memory_space<vmem>> -> memref<10240xi32, #tpu.memory_space<vmem>>
    %dma_start3A_11 = tpu.memref_slice %arg3[%add3A_6] : memref<3276800xi32, #tpu.memory_space<hbm>> -> memref<10240xi32, #tpu.memory_space<hbm>>
    tpu.enqueue_dma source(%dma_start3A_11 : memref<10240xi32, #tpu.memory_space<hbm>>) target(%dma_start3A_10 : memref<10240xi32, #tpu.memory_space<vmem>>) target_semaphore(%arg20 : memref<!tpu.dma_semaphore, #tpu.memory_space<semaphore_mem>>)
    %dma_start3A_12 = arith.constant 0 : i32
    %dma_start3A_13 = arith.constant 0 : i32
    %dma_start3A_14 = tpu.memref_slice %arg6[%dma_start3A_12, %dma_start3A_13] : memref<640x128xf32, #tpu.memory_space<vmem>> -> memref<80x128xf32, #tpu.memory_space<vmem>>
    %dma_start3A_15 = arith.constant 0 : i32
    %dma_start3A_16 = tpu.memref_slice %arg5[%dma_start3A_15] : memref<20480xi32, #tpu.memory_space<vmem>> -> memref<80xi32, #tpu.memory_space<vmem>>
    %dma_start3A_17 = arith.constant 0 : i32
    %dma_start3A_18 = arith.constant 0 : i32
    %dma_start3A_19 = tpu.memref_slice %arg7[%dma_start3A_17, %dma_start3A_18] : memref<1000x128xf32, #tpu.memory_space<vmem_shared>> -> memref<1000x128xf32, #tpu.memory_space<vmem_shared>>
    tpu.enqueue_indirect_dma source(%dma_start3A_19 : memref<1000x128xf32, #tpu.memory_space<vmem_shared>>) target(%dma_start3A_14 : memref<80x128xf32, #tpu.memory_space<vmem>>) offsets(%dma_start3A_16 : memref<80xi32, #tpu.memory_space<vmem>>) semaphore(%arg8 : memref<!tpu.dma_semaphore, #tpu.memory_space<semaphore_mem>>)
    %dma_start3A_20 = arith.constant 80 : i32
    %dma_start3A_21 = arith.constant 0 : i32
    %dma_start3A_22 = tpu.memref_slice %arg6[%dma_start3A_20, %dma_start3A_21] : memref<640x128xf32, #tpu.memory_space<vmem>> -> memref<80x128xf32, #tpu.memory_space<vmem>>
    %dma_start3A_23 = arith.constant 80 : i32
    %dma_start3A_24 = tpu.memref_slice %arg5[%dma_start3A_23] : memref<20480xi32, #tpu.memory_space<vmem>> -> memref<80xi32, #tpu.memory_space<vmem>>
    %dma_start3A_25 = arith.constant 0 : i32
    %dma_start3A_26 = arith.constant 0 : i32
    %dma_start3A_27 = tpu.memref_slice %arg7[%dma_start3A_25, %dma_start3A_26] : memref<1000x128xf32, #tpu.memory_space<vmem_shared>> -> memref<1000x128xf32, #tpu.memory_space<vmem_shared>>
    tpu.enqueue_indirect_dma source(%dma_start3A_27 : memref<1000x128xf32, #tpu.memory_space<vmem_shared>>) target(%dma_start3A_22 : memref<80x128xf32, #tpu.memory_space<vmem>>) offsets(%dma_start3A_24 : memref<80xi32, #tpu.memory_space<vmem>>) semaphore(%arg9 : memref<!tpu.dma_semaphore, #tpu.memory_space<semaphore_mem>>)
    %dma_start3A_28 = arith.constant 160 : i32
    %dma_start3A_29 = arith.constant 0 : i32
    %dma_start3A_30 = tpu.memref_slice %arg6[%dma_start3A_28, %dma_start3A_29] : memref<640x128xf32, #tpu.memory_space<vmem>> -> memref<80x128xf32, #tpu.memory_space<vmem>>
    %dma_start3A_31 = arith.constant 160 : i32
    %dma_start3A_32 = tpu.memref_slice %arg5[%dma_start3A_31] : memref<20480xi32, #tpu.memory_space<vmem>> -> memref<80xi32, #tpu.memory_space<vmem>>
    %dma_start3A_33 = arith.constant 0 : i32
    %dma_start3A_34 = arith.constant 0 : i32
    %dma_start3A_35 = tpu.memref_slice %arg7[%dma_start3A_33, %dma_start3A_34] : memref<1000x128xf32, #tpu.memory_space<vmem_shared>> -> memref<1000x128xf32, #tpu.memory_space<vmem_shared>>
    tpu.enqueue_indirect_dma source(%dma_start3A_35 : memref<1000x128xf32, #tpu.memory_space<vmem_shared>>) target(%dma_start3A_30 : memref<80x128xf32, #tpu.memory_space<vmem>>) offsets(%dma_start3A_32 : memref<80xi32, #tpu.memory_space<vmem>>) semaphore(%arg10 : memref<!tpu.dma_semaphore, #tpu.memory_space<semaphore_mem>>)
    %dma_start3A_36 = arith.constant 240 : i32
    %dma_start3A_37 = arith.constant 0 : i32
    %dma_start3A_38 = tpu.memref_slice %arg6[%dma_start3A_36, %dma_start3A_37] : memref<640x128xf32, #tpu.memory_space<vmem>> -> memref<80x128xf32, #tpu.memory_space<vmem>>
    %dma_start3A_39 = arith.constant 240 : i32
    %dma_start3A_40 = tpu.memref_slice %arg5[%dma_start3A_39] : memref<20480xi32, #tpu.memory_space<vmem>> -> memref<80xi32, #tpu.memory_space<vmem>>
    %dma_start3A_41 = arith.constant 0 : i32
    %dma_start3A_42 = arith.constant 0 : i32
    %dma_start3A_43 = tpu.memref_slice %arg7[%dma_start3A_41, %dma_start3A_42] : memref<1000x128xf32, #tpu.memory_space<vmem_shared>> -> memref<1000x128xf32, #tpu.memory_space<vmem_shared>>
    tpu.enqueue_indirect_dma source(%dma_start3A_43 : memref<1000x128xf32, #tpu.memory_space<vmem_shared>>) target(%dma_start3A_38 : memref<80x128xf32, #tpu.memory_space<vmem>>) offsets(%dma_start3A_40 : memref<80xi32, #tpu.memory_space<vmem>>) semaphore(%arg11 : memref<!tpu.dma_semaphore, #tpu.memory_space<semaphore_mem>>)
    %dma_start3A_44 = arith.constant 320 : i32
    %dma_start3A_45 = arith.constant 0 : i32
    %dma_start3A_46 = tpu.memref_slice %arg6[%dma_start3A_44, %dma_start3A_45] : memref<640x128xf32, #tpu.memory_space<vmem>> -> memref<80x128xf32, #tpu.memory_space<vmem>>
    %dma_start3A_47 = arith.constant 320 : i32
    %dma_start3A_48 = tpu.memref_slice %arg5[%dma_start3A_47] : memref<20480xi32, #tpu.memory_space<vmem>> -> memref<80xi32, #tpu.memory_space<vmem>>
    %dma_start3A_49 = arith.constant 0 : i32
    %dma_start3A_50 = arith.constant 0 : i32
    %dma_start3A_51 = tpu.memref_slice %arg7[%dma_start3A_49, %dma_start3A_50] : memref<1000x128xf32, #tpu.memory_space<vmem_shared>> -> memref<1000x128xf32, #tpu.memory_space<vmem_shared>>
    tpu.enqueue_indirect_dma source(%dma_start3A_51 : memref<1000x128xf32, #tpu.memory_space<vmem_shared>>) target(%dma_start3A_46 : memref<80x128xf32, #tpu.memory_space<vmem>>) offsets(%dma_start3A_48 : memref<80xi32, #tpu.memory_space<vmem>>) semaphore(%arg12 : memref<!tpu.dma_semaphore, #tpu.memory_space<semaphore_mem>>)
    %dma_start3A_52 = arith.constant 400 : i32
    %dma_start3A_53 = arith.constant 0 : i32
    %dma_start3A_54 = tpu.memref_slice %arg6[%dma_start3A_52, %dma_start3A_53] : memref<640x128xf32, #tpu.memory_space<vmem>> -> memref<80x128xf32, #tpu.memory_space<vmem>>
    %dma_start3A_55 = arith.constant 400 : i32
    %dma_start3A_56 = tpu.memref_slice %arg5[%dma_start3A_55] : memref<20480xi32, #tpu.memory_space<vmem>> -> memref<80xi32, #tpu.memory_space<vmem>>
    %dma_start3A_57 = arith.constant 0 : i32
    %dma_start3A_58 = arith.constant 0 : i32
    %dma_start3A_59 = tpu.memref_slice %arg7[%dma_start3A_57, %dma_start3A_58] : memref<1000x128xf32, #tpu.memory_space<vmem_shared>> -> memref<1000x128xf32, #tpu.memory_space<vmem_shared>>
    tpu.enqueue_indirect_dma source(%dma_start3A_59 : memref<1000x128xf32, #tpu.memory_space<vmem_shared>>) target(%dma_start3A_54 : memref<80x128xf32, #tpu.memory_space<vmem>>) offsets(%dma_start3A_56 : memref<80xi32, #tpu.memory_space<vmem>>) semaphore(%arg13 : memref<!tpu.dma_semaphore, #tpu.memory_space<semaphore_mem>>)
    %dma_start3A_60 = arith.constant 480 : i32
    %dma_start3A_61 = arith.constant 0 : i32
    %dma_start3A_62 = tpu.memref_slice %arg6[%dma_start3A_60, %dma_start3A_61] : memref<640x128xf32, #tpu.memory_space<vmem>> -> memref<80x128xf32, #tpu.memory_space<vmem>>
    %dma_start3A_63 = arith.constant 480 : i32
    %dma_start3A_64 = tpu.memref_slice %arg5[%dma_start3A_63] : memref<20480xi32, #tpu.memory_space<vmem>> -> memref<80xi32, #tpu.memory_space<vmem>>
    %dma_start3A_65 = arith.constant 0 : i32
    %dma_start3A_66 = arith.constant 0 : i32
    %dma_start3A_67 = tpu.memref_slice %arg7[%dma_start3A_65, %dma_start3A_66] : memref<1000x128xf32, #tpu.memory_space<vmem_shared>> -> memref<1000x128xf32, #tpu.memory_space<vmem_shared>>
    tpu.enqueue_indirect_dma source(%dma_start3A_67 : memref<1000x128xf32, #tpu.memory_space<vmem_shared>>) target(%dma_start3A_62 : memref<80x128xf32, #tpu.memory_space<vmem>>) offsets(%dma_start3A_64 : memref<80xi32, #tpu.memory_space<vmem>>) semaphore(%arg14 : memref<!tpu.dma_semaphore, #tpu.memory_space<semaphore_mem>>)
    %dma_start3A_68 = arith.constant 560 : i32
    %dma_start3A_69 = arith.constant 0 : i32
    %dma_start3A_70 = tpu.memref_slice %arg6[%dma_start3A_68, %dma_start3A_69] : memref<640x128xf32, #tpu.memory_space<vmem>> -> memref<80x128xf32, #tpu.memory_space<vmem>>
    %dma_start3A_71 = arith.constant 560 : i32
    %dma_start3A_72 = tpu.memref_slice %arg5[%dma_start3A_71] : memref<20480xi32, #tpu.memory_space<vmem>> -> memref<80xi32, #tpu.memory_space<vmem>>
    %dma_start3A_73 = arith.constant 0 : i32
    %dma_start3A_74 = arith.constant 0 : i32
    %dma_start3A_75 = tpu.memref_slice %arg7[%dma_start3A_73, %dma_start3A_74] : memref<1000x128xf32, #tpu.memory_space<vmem_shared>> -> memref<1000x128xf32, #tpu.memory_space<vmem_shared>>
    tpu.enqueue_indirect_dma source(%dma_start3A_75 : memref<1000x128xf32, #tpu.memory_space<vmem_shared>>) target(%dma_start3A_70 : memref<80x128xf32, #tpu.memory_space<vmem>>) offsets(%dma_start3A_72 : memref<80xi32, #tpu.memory_space<vmem>>) semaphore(%arg15 : memref<!tpu.dma_semaphore, #tpu.memory_space<semaphore_mem>>)
    %dma_wait3A = arith.constant 0 : i32
    %dma_wait3A_76 = arith.constant 0 : i32
    %dma_wait3A_77 = tpu.memref_slice %arg6[%dma_wait3A, %dma_wait3A_76] : memref<640x128xf32, #tpu.memory_space<vmem>> -> memref<80x128xf32, #tpu.memory_space<vmem>>
    %dma_wait3A_78 = arith.constant 0 : i32
    %dma_wait3A_79 = arith.constant 0 : i32
    %dma_wait3A_80 = tpu.memref_slice %arg4[%dma_wait3A_78, %dma_wait3A_79] : memref<3276800x128xf32, #tpu.memory_space<hbm>> -> memref<80x128xf32, #tpu.memory_space<hbm>>
    %dma_wait3A_81 = arith.constant 0 : i32
    %dma_wait3A_82 = arith.constant 0 : i32
    %dma_wait3A_83 = tpu.memref_slice %arg6[%dma_wait3A_81, %dma_wait3A_82] : memref<640x128xf32, #tpu.memory_space<vmem>> -> memref<80x128xf32, #tpu.memory_space<vmem>>
    %dma_wait3A_84 = arith.constant 0 : i32
    %dma_wait3A_85 = arith.constant 0 : i32
    %dma_wait3A_86 = tpu.memref_slice %arg4[%dma_wait3A_84, %dma_wait3A_85] : memref<3276800x128xf32, #tpu.memory_space<hbm>> -> memref<80x128xf32, #tpu.memory_space<hbm>>
    tpu.wait_dma2 semaphore(%arg8 : memref<!tpu.dma_semaphore, #tpu.memory_space<semaphore_mem>>) src(%dma_wait3A_86 : memref<80x128xf32, #tpu.memory_space<hbm>>) dst(%dma_wait3A_83 : memref<80x128xf32, #tpu.memory_space<vmem>>)
    %dma_wait3A_87 = arith.constant 80 : i32
    %dma_wait3A_88 = arith.constant 0 : i32
    %dma_wait3A_89 = tpu.memref_slice %arg6[%dma_wait3A_87, %dma_wait3A_88] : memref<640x128xf32, #tpu.memory_space<vmem>> -> memref<80x128xf32, #tpu.memory_space<vmem>>
    %dma_wait3A_90 = arith.constant 0 : i32
    %dma_wait3A_91 = arith.constant 0 : i32
    %dma_wait3A_92 = tpu.memref_slice %arg4[%dma_wait3A_90, %dma_wait3A_91] : memref<3276800x128xf32, #tpu.memory_space<hbm>> -> memref<80x128xf32, #tpu.memory_space<hbm>>
    %dma_wait3A_93 = arith.constant 80 : i32
    %dma_wait3A_94 = arith.constant 0 : i32
    %dma_wait3A_95 = tpu.memref_slice %arg6[%dma_wait3A_93, %dma_wait3A_94] : memref<640x128xf32, #tpu.memory_space<vmem>> -> memref<80x128xf32, #tpu.memory_space<vmem>>
    %dma_wait3A_96 = arith.constant 0 : i32
    %dma_wait3A_97 = arith.constant 0 : i32
    %dma_wait3A_98 = tpu.memref_slice %arg4[%dma_wait3A_96, %dma_wait3A_97] : memref<3276800x128xf32, #tpu.memory_space<hbm>> -> memref<80x128xf32, #tpu.memory_space<hbm>>
    tpu.wait_dma2 semaphore(%arg9 : memref<!tpu.dma_semaphore, #tpu.memory_space<semaphore_mem>>) src(%dma_wait3A_98 : memref<80x128xf32, #tpu.memory_space<hbm>>) dst(%dma_wait3A_95 : memref<80x128xf32, #tpu.memory_space<vmem>>)
    %add3A_99 = arith.constant 0 : i32
    %add3A_100 = arith.addi %mul3A_2, %add3A_99 : i32
    %dma_start3A_101 = arith.constant 0 : i32
    %dma_start3A_102 = arith.constant 0 : i32
    %dma_start3A_103 = tpu.memref_slice %arg6[%dma_start3A_101, %dma_start3A_102] : memref<640x128xf32, #tpu.memory_space<vmem>> -> memref<160x128xf32, #tpu.memory_space<vmem>>
    %dma_start3A_104 = arith.constant 0 : i32
    %dma_start3A_105 = tpu.memref_slice %arg4[%add3A_100, %dma_start3A_104] : memref<3276800x128xf32, #tpu.memory_space<hbm>> -> memref<160x128xf32, #tpu.memory_space<hbm>>
    %dma_start3A_106 = arith.constant 0 : i32
    %dma_start3A_107 = tpu.memref_slice %arg4[%add3A_100, %dma_start3A_106] : memref<3276800x128xf32, #tpu.memory_space<hbm>> -> memref<160x128xf32, #tpu.memory_space<hbm>>
    %dma_start3A_108 = arith.constant 0 : i32
    %dma_start3A_109 = arith.constant 0 : i32
    %dma_start3A_110 = tpu.memref_slice %arg6[%dma_start3A_108, %dma_start3A_109] : memref<640x128xf32, #tpu.memory_space<vmem>> -> memref<160x128xf32, #tpu.memory_space<vmem>>
    tpu.enqueue_dma source(%dma_start3A_110 : memref<160x128xf32, #tpu.memory_space<vmem>>) target(%dma_start3A_107 : memref<160x128xf32, #tpu.memory_space<hbm>>) target_semaphore(%arg16 : memref<!tpu.dma_semaphore, #tpu.memory_space<semaphore_mem>>)
    %dma_wait3A_111 = arith.constant 160 : i32
    %dma_wait3A_112 = arith.constant 0 : i32
    %dma_wait3A_113 = tpu.memref_slice %arg6[%dma_wait3A_111, %dma_wait3A_112] : memref<640x128xf32, #tpu.memory_space<vmem>> -> memref<80x128xf32, #tpu.memory_space<vmem>>
    %dma_wait3A_114 = arith.constant 0 : i32
    %dma_wait3A_115 = arith.constant 0 : i32
    %dma_wait3A_116 = tpu.memref_slice %arg4[%dma_wait3A_114, %dma_wait3A_115] : memref<3276800x128xf32, #tpu.memory_space<hbm>> -> memref<80x128xf32, #tpu.memory_space<hbm>>
    %dma_wait3A_117 = arith.constant 160 : i32
    %dma_wait3A_118 = arith.constant 0 : i32
    %dma_wait3A_119 = tpu.memref_slice %arg6[%dma_wait3A_117, %dma_wait3A_118] : memref<640x128xf32, #tpu.memory_space<vmem>> -> memref<80x128xf32, #tpu.memory_space<vmem>>
    %dma_wait3A_120 = arith.constant 0 : i32
    %dma_wait3A_121 = arith.constant 0 : i32
    %dma_wait3A_122 = tpu.memref_slice %arg4[%dma_wait3A_120, %dma_wait3A_121] : memref<3276800x128xf32, #tpu.memory_space<hbm>> -> memref<80x128xf32, #tpu.memory_space<hbm>>
    tpu.wait_dma2 semaphore(%arg10 : memref<!tpu.dma_semaphore, #tpu.memory_space<semaphore_mem>>) src(%dma_wait3A_122 : memref<80x128xf32, #tpu.memory_space<hbm>>) dst(%dma_wait3A_119 : memref<80x128xf32, #tpu.memory_space<vmem>>)
    %dma_wait3A_123 = arith.constant 240 : i32
    %dma_wait3A_124 = arith.constant 0 : i32
    %dma_wait3A_125 = tpu.memref_slice %arg6[%dma_wait3A_123, %dma_wait3A_124] : memref<640x128xf32, #tpu.memory_space<vmem>> -> memref<80x128xf32, #tpu.memory_space<vmem>>
    %dma_wait3A_126 = arith.constant 0 : i32
    %dma_wait3A_127 = arith.constant 0 : i32
    %dma_wait3A_128 = tpu.memref_slice %arg4[%dma_wait3A_126, %dma_wait3A_127] : memref<3276800x128xf32, #tpu.memory_space<hbm>> -> memref<80x128xf32, #tpu.memory_space<hbm>>
    %dma_wait3A_129 = arith.constant 240 : i32
    %dma_wait3A_130 = arith.constant 0 : i32
    %dma_wait3A_131 = tpu.memref_slice %arg6[%dma_wait3A_129, %dma_wait3A_130] : memref<640x128xf32, #tpu.memory_space<vmem>> -> memref<80x128xf32, #tpu.memory_space<vmem>>
    %dma_wait3A_132 = arith.constant 0 : i32
    %dma_wait3A_133 = arith.constant 0 : i32
    %dma_wait3A_134 = tpu.memref_slice %arg4[%dma_wait3A_132, %dma_wait3A_133] : memref<3276800x128xf32, #tpu.memory_space<hbm>> -> memref<80x128xf32, #tpu.memory_space<hbm>>
    tpu.wait_dma2 semaphore(%arg11 : memref<!tpu.dma_semaphore, #tpu.memory_space<semaphore_mem>>) src(%dma_wait3A_134 : memref<80x128xf32, #tpu.memory_space<hbm>>) dst(%dma_wait3A_131 : memref<80x128xf32, #tpu.memory_space<vmem>>)
    %add3A_135 = arith.constant 160 : i32
    %add3A_136 = arith.addi %mul3A_2, %add3A_135 : i32
    %dma_start3A_137 = arith.constant 160 : i32
    %dma_start3A_138 = arith.constant 0 : i32
    %dma_start3A_139 = tpu.memref_slice %arg6[%dma_start3A_137, %dma_start3A_138] : memref<640x128xf32, #tpu.memory_space<vmem>> -> memref<160x128xf32, #tpu.memory_space<vmem>>
    %dma_start3A_140 = arith.constant 0 : i32
    %dma_start3A_141 = tpu.memref_slice %arg4[%add3A_136, %dma_start3A_140] : memref<3276800x128xf32, #tpu.memory_space<hbm>> -> memref<160x128xf32, #tpu.memory_space<hbm>>
    %dma_start3A_142 = arith.constant 0 : i32
    %dma_start3A_143 = tpu.memref_slice %arg4[%add3A_136, %dma_start3A_142] : memref<3276800x128xf32, #tpu.memory_space<hbm>> -> memref<160x128xf32, #tpu.memory_space<hbm>>
    %dma_start3A_144 = arith.constant 160 : i32
    %dma_start3A_145 = arith.constant 0 : i32
    %dma_start3A_146 = tpu.memref_slice %arg6[%dma_start3A_144, %dma_start3A_145] : memref<640x128xf32, #tpu.memory_space<vmem>> -> memref<160x128xf32, #tpu.memory_space<vmem>>
    tpu.enqueue_dma source(%dma_start3A_146 : memref<160x128xf32, #tpu.memory_space<vmem>>) target(%dma_start3A_143 : memref<160x128xf32, #tpu.memory_space<hbm>>) target_semaphore(%arg17 : memref<!tpu.dma_semaphore, #tpu.memory_space<semaphore_mem>>)
    %scan3A = arith.constant 0 : i32
    %scan3A_147 = arith.constant 0 : i32
    %scan3A_148 = arith.constant 159 : i32
    %scan3A_149 = arith.addi %scan3A_147, %scan3A_148 : i32
    %scan3A_150 = arith.constant 1 : i32
    %scan3A_151 = scf.for %scan3A_273 = %scan3A_147 to %scan3A_149 step %scan3A_150 iter_args(%scan3A_274 = %scan3A) -> (i32)  : i32 {
      %mul3A_275 = arith.constant 4 : i32
      %mul3A_276 = arith.muli %scan3A_273, %mul3A_275 : i32
      %add3A_277 = arith.constant 4 : i32
      %add3A_278 = arith.addi %add3A_277, %mul3A_276 : i32
      %jit3A = arith.constant 16 : i32
      %eq3A_279 = arith.constant 0 : i32
      %eq3A_280 = arith.cmpi eq, %jit3A, %eq3A_279 : i32
      %jit3A_281 = arith.constant 1 : i32
      %select_n3A = arith.select %eq3A_280, %jit3A_281, %jit3A : i32
      %rem3A = arith.remsi %scan3A_273, %select_n3A : i32
      %ne3A = arith.constant 0 : i32
      %ne3A_282 = arith.cmpi ne, %rem3A, %ne3A : i32
      %lt3A = arith.constant 0 : i32
      %lt3A_283 = arith.cmpi slt, %rem3A, %lt3A : i32
      %lt3A_284 = arith.constant 0 : i32
      %lt3A_285 = arith.cmpi slt, %select_n3A, %lt3A_284 : i32
      %ne3A_286 = arith.xori %lt3A_283, %lt3A_285 : i1
      %and3A = arith.andi %ne3A_286, %ne3A_282 : i1
      %add3A_287 = arith.addi %rem3A, %select_n3A : i32
      %select_n3A_288 = arith.select %and3A, %add3A_287, %rem3A : i32
      %eq3A_289 = arith.constant 15 : i32
      %eq3A_290 = arith.cmpi eq, %select_n3A_288, %eq3A_289 : i32
      %convert_element_type3A_291 = arith.extui %eq3A_290 : i1 to i32
      %cond3A_292 = arith.constant 0 : i32
      %cond3A_293 = arith.cmpi ne, %convert_element_type3A_291, %cond3A_292 : i32
      scf.if %cond3A_293 {
        %dma_wait3A_720 = arith.constant 0 : i32
        %dma_wait3A_721 = tpu.memref_slice %arg5[%dma_wait3A_720] : memref<20480xi32, #tpu.memory_space<vmem>> -> memref<10240xi32, #tpu.memory_space<vmem>>
        %dma_wait3A_722 = arith.constant 0 : i32
        %dma_wait3A_723 = tpu.memref_slice %arg3[%dma_wait3A_722] : memref<3276800xi32, #tpu.memory_space<hbm>> -> memref<10240xi32, #tpu.memory_space<hbm>>
        %dma_wait3A_724 = arith.constant 0 : i32
        %dma_wait3A_725 = tpu.memref_slice %arg5[%dma_wait3A_724] : memref<20480xi32, #tpu.memory_space<vmem>> -> memref<10240xi32, #tpu.memory_space<vmem>>
        %dma_wait3A_726 = arith.constant 0 : i32
        %dma_wait3A_727 = tpu.memref_slice %arg3[%dma_wait3A_726] : memref<3276800xi32, #tpu.memory_space<hbm>> -> memref<10240xi32, #tpu.memory_space<hbm>>
        tpu.wait_dma2 semaphore(%arg20 : memref<!tpu.dma_semaphore, #tpu.memory_space<semaphore_mem>>) src(%dma_wait3A_727 : memref<10240xi32, #tpu.memory_space<hbm>>) dst(%dma_wait3A_725 : memref<10240xi32, #tpu.memory_space<vmem>>)
      } else {
      }
      %add3A_294 = arith.constant 0 : i32
      %add3A_295 = arith.addi %add3A_278, %add3A_294 : i32
      %dma_wait3A_296 = arith.constant 320 : i32
      %dma_wait3A_297 = arith.constant 0 : i32
      %dma_wait3A_298 = tpu.memref_slice %arg6[%dma_wait3A_296, %dma_wait3A_297] : memref<640x128xf32, #tpu.memory_space<vmem>> -> memref<80x128xf32, #tpu.memory_space<vmem>>
      %dma_wait3A_299 = arith.constant 0 : i32
      %dma_wait3A_300 = arith.constant 0 : i32
      %dma_wait3A_301 = tpu.memref_slice %arg4[%dma_wait3A_299, %dma_wait3A_300] : memref<3276800x128xf32, #tpu.memory_space<hbm>> -> memref<80x128xf32, #tpu.memory_space<hbm>>
      %dma_wait3A_302 = arith.constant 320 : i32
      %dma_wait3A_303 = arith.constant 0 : i32
      %dma_wait3A_304 = tpu.memref_slice %arg6[%dma_wait3A_302, %dma_wait3A_303] : memref<640x128xf32, #tpu.memory_space<vmem>> -> memref<80x128xf32, #tpu.memory_space<vmem>>
      %dma_wait3A_305 = arith.constant 0 : i32
      %dma_wait3A_306 = arith.constant 0 : i32
      %dma_wait3A_307 = tpu.memref_slice %arg4[%dma_wait3A_305, %dma_wait3A_306] : memref<3276800x128xf32, #tpu.memory_space<hbm>> -> memref<80x128xf32, #tpu.memory_space<hbm>>
      tpu.wait_dma2 semaphore(%arg12 : memref<!tpu.dma_semaphore, #tpu.memory_space<semaphore_mem>>) src(%dma_wait3A_307 : memref<80x128xf32, #tpu.memory_space<hbm>>) dst(%dma_wait3A_304 : memref<80x128xf32, #tpu.memory_space<vmem>>)
      %dma_wait3A_308 = arith.constant 400 : i32
      %dma_wait3A_309 = arith.constant 0 : i32
      %dma_wait3A_310 = tpu.memref_slice %arg6[%dma_wait3A_308, %dma_wait3A_309] : memref<640x128xf32, #tpu.memory_space<vmem>> -> memref<80x128xf32, #tpu.memory_space<vmem>>
      %dma_wait3A_311 = arith.constant 0 : i32
      %dma_wait3A_312 = arith.constant 0 : i32
      %dma_wait3A_313 = tpu.memref_slice %arg4[%dma_wait3A_311, %dma_wait3A_312] : memref<3276800x128xf32, #tpu.memory_space<hbm>> -> memref<80x128xf32, #tpu.memory_space<hbm>>
      %dma_wait3A_314 = arith.constant 400 : i32
      %dma_wait3A_315 = arith.constant 0 : i32
      %dma_wait3A_316 = tpu.memref_slice %arg6[%dma_wait3A_314, %dma_wait3A_315] : memref<640x128xf32, #tpu.memory_space<vmem>> -> memref<80x128xf32, #tpu.memory_space<vmem>>
      %dma_wait3A_317 = arith.constant 0 : i32
      %dma_wait3A_318 = arith.constant 0 : i32
      %dma_wait3A_319 = tpu.memref_slice %arg4[%dma_wait3A_317, %dma_wait3A_318] : memref<3276800x128xf32, #tpu.memory_space<hbm>> -> memref<80x128xf32, #tpu.memory_space<hbm>>
      tpu.wait_dma2 semaphore(%arg13 : memref<!tpu.dma_semaphore, #tpu.memory_space<semaphore_mem>>) src(%dma_wait3A_319 : memref<80x128xf32, #tpu.memory_space<hbm>>) dst(%dma_wait3A_316 : memref<80x128xf32, #tpu.memory_space<vmem>>)
      %sub3A = arith.constant 2 : i32
      %sub3A_320 = arith.subi %add3A_295, %sub3A : i32
      %mul3A_321 = arith.constant 160 : i32
      %mul3A_322 = arith.muli %sub3A_320, %mul3A_321 : i32
      %add3A_323 = arith.addi %mul3A_2, %mul3A_322 : i32
      %dma_start3A_324 = arith.constant 320 : i32
      %dma_start3A_325 = arith.constant 0 : i32
      %dma_start3A_326 = tpu.memref_slice %arg6[%dma_start3A_324, %dma_start3A_325] : memref<640x128xf32, #tpu.memory_space<vmem>> -> memref<160x128xf32, #tpu.memory_space<vmem>>
      %dma_start3A_327 = arith.constant 0 : i32
      %dma_start3A_328 = tpu.memref_slice %arg4[%add3A_323, %dma_start3A_327] : memref<3276800x128xf32, #tpu.memory_space<hbm>> -> memref<160x128xf32, #tpu.memory_space<hbm>>
      %dma_start3A_329 = arith.constant 0 : i32
      %dma_start3A_330 = tpu.memref_slice %arg4[%add3A_323, %dma_start3A_329] : memref<3276800x128xf32, #tpu.memory_space<hbm>> -> memref<160x128xf32, #tpu.memory_space<hbm>>
      %dma_start3A_331 = arith.constant 320 : i32
      %dma_start3A_332 = arith.constant 0 : i32
      %dma_start3A_333 = tpu.memref_slice %arg6[%dma_start3A_331, %dma_start3A_332] : memref<640x128xf32, #tpu.memory_space<vmem>> -> memref<160x128xf32, #tpu.memory_space<vmem>>
      tpu.enqueue_dma source(%dma_start3A_333 : memref<160x128xf32, #tpu.memory_space<vmem>>) target(%dma_start3A_330 : memref<160x128xf32, #tpu.memory_space<hbm>>) target_semaphore(%arg18 : memref<!tpu.dma_semaphore, #tpu.memory_space<semaphore_mem>>)
      %dma_wait3A_334 = arith.constant 0 : i32
      %dma_wait3A_335 = arith.constant 0 : i32
      %dma_wait3A_336 = tpu.memref_slice %arg6[%dma_wait3A_334, %dma_wait3A_335] : memref<640x128xf32, #tpu.memory_space<vmem>> -> memref<160x128xf32, #tpu.memory_space<vmem>>
      %dma_wait3A_337 = arith.constant 0 : i32
      %dma_wait3A_338 = arith.constant 0 : i32
      %dma_wait3A_339 = tpu.memref_slice %arg4[%dma_wait3A_337, %dma_wait3A_338] : memref<3276800x128xf32, #tpu.memory_space<hbm>> -> memref<160x128xf32, #tpu.memory_space<hbm>>
      %dma_wait3A_340 = arith.constant 0 : i32
      %dma_wait3A_341 = arith.constant 0 : i32
      %dma_wait3A_342 = tpu.memref_slice %arg4[%dma_wait3A_340, %dma_wait3A_341] : memref<3276800x128xf32, #tpu.memory_space<hbm>> -> memref<160x128xf32, #tpu.memory_space<hbm>>
      %dma_wait3A_343 = arith.constant 0 : i32
      %dma_wait3A_344 = arith.constant 0 : i32
      %dma_wait3A_345 = tpu.memref_slice %arg6[%dma_wait3A_343, %dma_wait3A_344] : memref<640x128xf32, #tpu.memory_space<vmem>> -> memref<160x128xf32, #tpu.memory_space<vmem>>
      tpu.wait_dma2 semaphore(%arg16 : memref<!tpu.dma_semaphore, #tpu.memory_space<semaphore_mem>>) src(%dma_wait3A_345 : memref<160x128xf32, #tpu.memory_space<vmem>>) dst(%dma_wait3A_342 : memref<160x128xf32, #tpu.memory_space<hbm>>)
      %mul3A_346 = arith.constant 2 : i32
      %mul3A_347 = arith.muli %mul3A_346, %add3A_295 : i32
      %shift_right_arithmetic3A = arith.constant 7 : i32
      %shift_right_arithmetic3A_348 = arith.shrsi %mul3A_347, %shift_right_arithmetic3A : i32
      %and3A_349 = arith.constant 1 : i32
      %and3A_350 = arith.andi %shift_right_arithmetic3A_348, %and3A_349 : i32
      %mul3A_351 = arith.constant 10240 : i32
      %mul3A_352 = arith.muli %and3A_350, %mul3A_351 : i32
      %and3A_353 = arith.constant 127 : i32
      %and3A_354 = arith.andi %mul3A_347, %and3A_353 : i32
      %mul3A_355 = arith.constant 80 : i32
      %mul3A_356 = arith.muli %and3A_354, %mul3A_355 : i32
      %add3A_357 = arith.addi %mul3A_352, %mul3A_356 : i32
      %dma_start3A_358 = arith.constant 0 : i32
      %dma_start3A_359 = arith.constant 0 : i32
      %dma_start3A_360 = tpu.memref_slice %arg6[%dma_start3A_358, %dma_start3A_359] : memref<640x128xf32, #tpu.memory_space<vmem>> -> memref<80x128xf32, #tpu.memory_space<vmem>>
      %dma_start3A_361 = tpu.memref_slice %arg5[%add3A_357] : memref<20480xi32, #tpu.memory_space<vmem>> -> memref<80xi32, #tpu.memory_space<vmem>>
      %dma_start3A_362 = arith.constant 0 : i32
      %dma_start3A_363 = arith.constant 0 : i32
      %dma_start3A_364 = tpu.memref_slice %arg7[%dma_start3A_362, %dma_start3A_363] : memref<1000x128xf32, #tpu.memory_space<vmem_shared>> -> memref<1000x128xf32, #tpu.memory_space<vmem_shared>>
      tpu.enqueue_indirect_dma source(%dma_start3A_364 : memref<1000x128xf32, #tpu.memory_space<vmem_shared>>) target(%dma_start3A_360 : memref<80x128xf32, #tpu.memory_space<vmem>>) offsets(%dma_start3A_361 : memref<80xi32, #tpu.memory_space<vmem>>) semaphore(%arg8 : memref<!tpu.dma_semaphore, #tpu.memory_space<semaphore_mem>>)
      %mul3A_365 = arith.constant 2 : i32
      %mul3A_366 = arith.muli %mul3A_365, %add3A_295 : i32
      %add3A_367 = arith.constant 1 : i32
      %add3A_368 = arith.addi %mul3A_366, %add3A_367 : i32
      %shift_right_arithmetic3A_369 = arith.constant 7 : i32
      %shift_right_arithmetic3A_370 = arith.shrsi %add3A_368, %shift_right_arithmetic3A_369 : i32
      %and3A_371 = arith.constant 1 : i32
      %and3A_372 = arith.andi %shift_right_arithmetic3A_370, %and3A_371 : i32
      %mul3A_373 = arith.constant 10240 : i32
      %mul3A_374 = arith.muli %and3A_372, %mul3A_373 : i32
      %and3A_375 = arith.constant 127 : i32
      %and3A_376 = arith.andi %add3A_368, %and3A_375 : i32
      %mul3A_377 = arith.constant 80 : i32
      %mul3A_378 = arith.muli %and3A_376, %mul3A_377 : i32
      %add3A_379 = arith.addi %mul3A_374, %mul3A_378 : i32
      %dma_start3A_380 = arith.constant 80 : i32
      %dma_start3A_381 = arith.constant 0 : i32
      %dma_start3A_382 = tpu.memref_slice %arg6[%dma_start3A_380, %dma_start3A_381] : memref<640x128xf32, #tpu.memory_space<vmem>> -> memref<80x128xf32, #tpu.memory_space<vmem>>
      %dma_start3A_383 = tpu.memref_slice %arg5[%add3A_379] : memref<20480xi32, #tpu.memory_space<vmem>> -> memref<80xi32, #tpu.memory_space<vmem>>
      %dma_start3A_384 = arith.constant 0 : i32
      %dma_start3A_385 = arith.constant 0 : i32
      %dma_start3A_386 = tpu.memref_slice %arg7[%dma_start3A_384, %dma_start3A_385] : memref<1000x128xf32, #tpu.memory_space<vmem_shared>> -> memref<1000x128xf32, #tpu.memory_space<vmem_shared>>
      tpu.enqueue_indirect_dma source(%dma_start3A_386 : memref<1000x128xf32, #tpu.memory_space<vmem_shared>>) target(%dma_start3A_382 : memref<80x128xf32, #tpu.memory_space<vmem>>) offsets(%dma_start3A_383 : memref<80xi32, #tpu.memory_space<vmem>>) semaphore(%arg9 : memref<!tpu.dma_semaphore, #tpu.memory_space<semaphore_mem>>)
      %add3A_387 = arith.constant 1 : i32
      %add3A_388 = arith.addi %add3A_278, %add3A_387 : i32
      %dma_wait3A_389 = arith.constant 480 : i32
      %dma_wait3A_390 = arith.constant 0 : i32
      %dma_wait3A_391 = tpu.memref_slice %arg6[%dma_wait3A_389, %dma_wait3A_390] : memref<640x128xf32, #tpu.memory_space<vmem>> -> memref<80x128xf32, #tpu.memory_space<vmem>>
      %dma_wait3A_392 = arith.constant 0 : i32
      %dma_wait3A_393 = arith.constant 0 : i32
      %dma_wait3A_394 = tpu.memref_slice %arg4[%dma_wait3A_392, %dma_wait3A_393] : memref<3276800x128xf32, #tpu.memory_space<hbm>> -> memref<80x128xf32, #tpu.memory_space<hbm>>
      %dma_wait3A_395 = arith.constant 480 : i32
      %dma_wait3A_396 = arith.constant 0 : i32
      %dma_wait3A_397 = tpu.memref_slice %arg6[%dma_wait3A_395, %dma_wait3A_396] : memref<640x128xf32, #tpu.memory_space<vmem>> -> memref<80x128xf32, #tpu.memory_space<vmem>>
      %dma_wait3A_398 = arith.constant 0 : i32
      %dma_wait3A_399 = arith.constant 0 : i32
      %dma_wait3A_400 = tpu.memref_slice %arg4[%dma_wait3A_398, %dma_wait3A_399] : memref<3276800x128xf32, #tpu.memory_space<hbm>> -> memref<80x128xf32, #tpu.memory_space<hbm>>
      tpu.wait_dma2 semaphore(%arg14 : memref<!tpu.dma_semaphore, #tpu.memory_space<semaphore_mem>>) src(%dma_wait3A_400 : memref<80x128xf32, #tpu.memory_space<hbm>>) dst(%dma_wait3A_397 : memref<80x128xf32, #tpu.memory_space<vmem>>)
      %dma_wait3A_401 = arith.constant 560 : i32
      %dma_wait3A_402 = arith.constant 0 : i32
      %dma_wait3A_403 = tpu.memref_slice %arg6[%dma_wait3A_401, %dma_wait3A_402] : memref<640x128xf32, #tpu.memory_space<vmem>> -> memref<80x128xf32, #tpu.memory_space<vmem>>
      %dma_wait3A_404 = arith.constant 0 : i32
      %dma_wait3A_405 = arith.constant 0 : i32
      %dma_wait3A_406 = tpu.memref_slice %arg4[%dma_wait3A_404, %dma_wait3A_405] : memref<3276800x128xf32, #tpu.memory_space<hbm>> -> memref<80x128xf32, #tpu.memory_space<hbm>>
      %dma_wait3A_407 = arith.constant 560 : i32
      %dma_wait3A_408 = arith.constant 0 : i32
      %dma_wait3A_409 = tpu.memref_slice %arg6[%dma_wait3A_407, %dma_wait3A_408] : memref<640x128xf32, #tpu.memory_space<vmem>> -> memref<80x128xf32, #tpu.memory_space<vmem>>
      %dma_wait3A_410 = arith.constant 0 : i32
      %dma_wait3A_411 = arith.constant 0 : i32
      %dma_wait3A_412 = tpu.memref_slice %arg4[%dma_wait3A_410, %dma_wait3A_411] : memref<3276800x128xf32, #tpu.memory_space<hbm>> -> memref<80x128xf32, #tpu.memory_space<hbm>>
      tpu.wait_dma2 semaphore(%arg15 : memref<!tpu.dma_semaphore, #tpu.memory_space<semaphore_mem>>) src(%dma_wait3A_412 : memref<80x128xf32, #tpu.memory_space<hbm>>) dst(%dma_wait3A_409 : memref<80x128xf32, #tpu.memory_space<vmem>>)
      %sub3A_413 = arith.constant 2 : i32
      %sub3A_414 = arith.subi %add3A_388, %sub3A_413 : i32
      %mul3A_415 = arith.constant 160 : i32
      %mul3A_416 = arith.muli %sub3A_414, %mul3A_415 : i32
      %add3A_417 = arith.addi %mul3A_2, %mul3A_416 : i32
      %dma_start3A_418 = arith.constant 480 : i32
      %dma_start3A_419 = arith.constant 0 : i32
      %dma_start3A_420 = tpu.memref_slice %arg6[%dma_start3A_418, %dma_start3A_419] : memref<640x128xf32, #tpu.memory_space<vmem>> -> memref<160x128xf32, #tpu.memory_space<vmem>>
      %dma_start3A_421 = arith.constant 0 : i32
      %dma_start3A_422 = tpu.memref_slice %arg4[%add3A_417, %dma_start3A_421] : memref<3276800x128xf32, #tpu.memory_space<hbm>> -> memref<160x128xf32, #tpu.memory_space<hbm>>
      %dma_start3A_423 = arith.constant 0 : i32
      %dma_start3A_424 = tpu.memref_slice %arg4[%add3A_417, %dma_start3A_423] : memref<3276800x128xf32, #tpu.memory_space<hbm>> -> memref<160x128xf32, #tpu.memory_space<hbm>>
      %dma_start3A_425 = arith.constant 480 : i32
      %dma_start3A_426 = arith.constant 0 : i32
      %dma_start3A_427 = tpu.memref_slice %arg6[%dma_start3A_425, %dma_start3A_426] : memref<640x128xf32, #tpu.memory_space<vmem>> -> memref<160x128xf32, #tpu.memory_space<vmem>>
      tpu.enqueue_dma source(%dma_start3A_427 : memref<160x128xf32, #tpu.memory_space<vmem>>) target(%dma_start3A_424 : memref<160x128xf32, #tpu.memory_space<hbm>>) target_semaphore(%arg19 : memref<!tpu.dma_semaphore, #tpu.memory_space<semaphore_mem>>)
      %dma_wait3A_428 = arith.constant 160 : i32
      %dma_wait3A_429 = arith.constant 0 : i32
      %dma_wait3A_430 = tpu.memref_slice %arg6[%dma_wait3A_428, %dma_wait3A_429] : memref<640x128xf32, #tpu.memory_space<vmem>> -> memref<160x128xf32, #tpu.memory_space<vmem>>
      %dma_wait3A_431 = arith.constant 0 : i32
      %dma_wait3A_432 = arith.constant 0 : i32
      %dma_wait3A_433 = tpu.memref_slice %arg4[%dma_wait3A_431, %dma_wait3A_432] : memref<3276800x128xf32, #tpu.memory_space<hbm>> -> memref<160x128xf32, #tpu.memory_space<hbm>>
      %dma_wait3A_434 = arith.constant 0 : i32
      %dma_wait3A_435 = arith.constant 0 : i32
      %dma_wait3A_436 = tpu.memref_slice %arg4[%dma_wait3A_434, %dma_wait3A_435] : memref<3276800x128xf32, #tpu.memory_space<hbm>> -> memref<160x128xf32, #tpu.memory_space<hbm>>
      %dma_wait3A_437 = arith.constant 160 : i32
      %dma_wait3A_438 = arith.constant 0 : i32
      %dma_wait3A_439 = tpu.memref_slice %arg6[%dma_wait3A_437, %dma_wait3A_438] : memref<640x128xf32, #tpu.memory_space<vmem>> -> memref<160x128xf32, #tpu.memory_space<vmem>>
      tpu.wait_dma2 semaphore(%arg17 : memref<!tpu.dma_semaphore, #tpu.memory_space<semaphore_mem>>) src(%dma_wait3A_439 : memref<160x128xf32, #tpu.memory_space<vmem>>) dst(%dma_wait3A_436 : memref<160x128xf32, #tpu.memory_space<hbm>>)
      %mul3A_440 = arith.constant 2 : i32
      %mul3A_441 = arith.muli %mul3A_440, %add3A_388 : i32
      %shift_right_arithmetic3A_442 = arith.constant 7 : i32
      %shift_right_arithmetic3A_443 = arith.shrsi %mul3A_441, %shift_right_arithmetic3A_442 : i32
      %and3A_444 = arith.constant 1 : i32
      %and3A_445 = arith.andi %shift_right_arithmetic3A_443, %and3A_444 : i32
      %mul3A_446 = arith.constant 10240 : i32
      %mul3A_447 = arith.muli %and3A_445, %mul3A_446 : i32
      %and3A_448 = arith.constant 127 : i32
      %and3A_449 = arith.andi %mul3A_441, %and3A_448 : i32
      %mul3A_450 = arith.constant 80 : i32
      %mul3A_451 = arith.muli %and3A_449, %mul3A_450 : i32
      %add3A_452 = arith.addi %mul3A_447, %mul3A_451 : i32
      %dma_start3A_453 = arith.constant 160 : i32
      %dma_start3A_454 = arith.constant 0 : i32
      %dma_start3A_455 = tpu.memref_slice %arg6[%dma_start3A_453, %dma_start3A_454] : memref<640x128xf32, #tpu.memory_space<vmem>> -> memref<80x128xf32, #tpu.memory_space<vmem>>
      %dma_start3A_456 = tpu.memref_slice %arg5[%add3A_452] : memref<20480xi32, #tpu.memory_space<vmem>> -> memref<80xi32, #tpu.memory_space<vmem>>
      %dma_start3A_457 = arith.constant 0 : i32
      %dma_start3A_458 = arith.constant 0 : i32
      %dma_start3A_459 = tpu.memref_slice %arg7[%dma_start3A_457, %dma_start3A_458] : memref<1000x128xf32, #tpu.memory_space<vmem_shared>> -> memref<1000x128xf32, #tpu.memory_space<vmem_shared>>
      tpu.enqueue_indirect_dma source(%dma_start3A_459 : memref<1000x128xf32, #tpu.memory_space<vmem_shared>>) target(%dma_start3A_455 : memref<80x128xf32, #tpu.memory_space<vmem>>) offsets(%dma_start3A_456 : memref<80xi32, #tpu.memory_space<vmem>>) semaphore(%arg10 : memref<!tpu.dma_semaphore, #tpu.memory_space<semaphore_mem>>)
      %mul3A_460 = arith.constant 2 : i32
      %mul3A_461 = arith.muli %mul3A_460, %add3A_388 : i32
      %add3A_462 = arith.constant 1 : i32
      %add3A_463 = arith.addi %mul3A_461, %add3A_462 : i32
      %shift_right_arithmetic3A_464 = arith.constant 7 : i32
      %shift_right_arithmetic3A_465 = arith.shrsi %add3A_463, %shift_right_arithmetic3A_464 : i32
      %and3A_466 = arith.constant 1 : i32
      %and3A_467 = arith.andi %shift_right_arithmetic3A_465, %and3A_466 : i32
      %mul3A_468 = arith.constant 10240 : i32
      %mul3A_469 = arith.muli %and3A_467, %mul3A_468 : i32
      %and3A_470 = arith.constant 127 : i32
      %and3A_471 = arith.andi %add3A_463, %and3A_470 : i32
      %mul3A_472 = arith.constant 80 : i32
      %mul3A_473 = arith.muli %and3A_471, %mul3A_472 : i32
      %add3A_474 = arith.addi %mul3A_469, %mul3A_473 : i32
      %dma_start3A_475 = arith.constant 240 : i32
      %dma_start3A_476 = arith.constant 0 : i32
      %dma_start3A_477 = tpu.memref_slice %arg6[%dma_start3A_475, %dma_start3A_476] : memref<640x128xf32, #tpu.memory_space<vmem>> -> memref<80x128xf32, #tpu.memory_space<vmem>>
      %dma_start3A_478 = tpu.memref_slice %arg5[%add3A_474] : memref<20480xi32, #tpu.memory_space<vmem>> -> memref<80xi32, #tpu.memory_space<vmem>>
      %dma_start3A_479 = arith.constant 0 : i32
      %dma_start3A_480 = arith.constant 0 : i32
      %dma_start3A_481 = tpu.memref_slice %arg7[%dma_start3A_479, %dma_start3A_480] : memref<1000x128xf32, #tpu.memory_space<vmem_shared>> -> memref<1000x128xf32, #tpu.memory_space<vmem_shared>>
      tpu.enqueue_indirect_dma source(%dma_start3A_481 : memref<1000x128xf32, #tpu.memory_space<vmem_shared>>) target(%dma_start3A_477 : memref<80x128xf32, #tpu.memory_space<vmem>>) offsets(%dma_start3A_478 : memref<80xi32, #tpu.memory_space<vmem>>) semaphore(%arg11 : memref<!tpu.dma_semaphore, #tpu.memory_space<semaphore_mem>>)
      %add3A_482 = arith.constant 2 : i32
      %add3A_483 = arith.addi %add3A_278, %add3A_482 : i32
      %dma_wait3A_484 = arith.constant 0 : i32
      %dma_wait3A_485 = arith.constant 0 : i32
      %dma_wait3A_486 = tpu.memref_slice %arg6[%dma_wait3A_484, %dma_wait3A_485] : memref<640x128xf32, #tpu.memory_space<vmem>> -> memref<80x128xf32, #tpu.memory_space<vmem>>
      %dma_wait3A_487 = arith.constant 0 : i32
      %dma_wait3A_488 = arith.constant 0 : i32
      %dma_wait3A_489 = tpu.memref_slice %arg4[%dma_wait3A_487, %dma_wait3A_488] : memref<3276800x128xf32, #tpu.memory_space<hbm>> -> memref<80x128xf32, #tpu.memory_space<hbm>>
      %dma_wait3A_490 = arith.constant 0 : i32
      %dma_wait3A_491 = arith.constant 0 : i32
      %dma_wait3A_492 = tpu.memref_slice %arg6[%dma_wait3A_490, %dma_wait3A_491] : memref<640x128xf32, #tpu.memory_space<vmem>> -> memref<80x128xf32, #tpu.memory_space<vmem>>
      %dma_wait3A_493 = arith.constant 0 : i32
      %dma_wait3A_494 = arith.constant 0 : i32
      %dma_wait3A_495 = tpu.memref_slice %arg4[%dma_wait3A_493, %dma_wait3A_494] : memref<3276800x128xf32, #tpu.memory_space<hbm>> -> memref<80x128xf32, #tpu.memory_space<hbm>>
      tpu.wait_dma2 semaphore(%arg8 : memref<!tpu.dma_semaphore, #tpu.memory_space<semaphore_mem>>) src(%dma_wait3A_495 : memref<80x128xf32, #tpu.memory_space<hbm>>) dst(%dma_wait3A_492 : memref<80x128xf32, #tpu.memory_space<vmem>>)
      %dma_wait3A_496 = arith.constant 80 : i32
      %dma_wait3A_497 = arith.constant 0 : i32
      %dma_wait3A_498 = tpu.memref_slice %arg6[%dma_wait3A_496, %dma_wait3A_497] : memref<640x128xf32, #tpu.memory_space<vmem>> -> memref<80x128xf32, #tpu.memory_space<vmem>>
      %dma_wait3A_499 = arith.constant 0 : i32
      %dma_wait3A_500 = arith.constant 0 : i32
      %dma_wait3A_501 = tpu.memref_slice %arg4[%dma_wait3A_499, %dma_wait3A_500] : memref<3276800x128xf32, #tpu.memory_space<hbm>> -> memref<80x128xf32, #tpu.memory_space<hbm>>
      %dma_wait3A_502 = arith.constant 80 : i32
      %dma_wait3A_503 = arith.constant 0 : i32
      %dma_wait3A_504 = tpu.memref_slice %arg6[%dma_wait3A_502, %dma_wait3A_503] : memref<640x128xf32, #tpu.memory_space<vmem>> -> memref<80x128xf32, #tpu.memory_space<vmem>>
      %dma_wait3A_505 = arith.constant 0 : i32
      %dma_wait3A_506 = arith.constant 0 : i32
      %dma_wait3A_507 = tpu.memref_slice %arg4[%dma_wait3A_505, %dma_wait3A_506] : memref<3276800x128xf32, #tpu.memory_space<hbm>> -> memref<80x128xf32, #tpu.memory_space<hbm>>
      tpu.wait_dma2 semaphore(%arg9 : memref<!tpu.dma_semaphore, #tpu.memory_space<semaphore_mem>>) src(%dma_wait3A_507 : memref<80x128xf32, #tpu.memory_space<hbm>>) dst(%dma_wait3A_504 : memref<80x128xf32, #tpu.memory_space<vmem>>)
      %sub3A_508 = arith.constant 2 : i32
      %sub3A_509 = arith.subi %add3A_483, %sub3A_508 : i32
      %mul3A_510 = arith.constant 160 : i32
      %mul3A_511 = arith.muli %sub3A_509, %mul3A_510 : i32
      %add3A_512 = arith.addi %mul3A_2, %mul3A_511 : i32
      %dma_start3A_513 = arith.constant 0 : i32
      %dma_start3A_514 = arith.constant 0 : i32
      %dma_start3A_515 = tpu.memref_slice %arg6[%dma_start3A_513, %dma_start3A_514] : memref<640x128xf32, #tpu.memory_space<vmem>> -> memref<160x128xf32, #tpu.memory_space<vmem>>
      %dma_start3A_516 = arith.constant 0 : i32
      %dma_start3A_517 = tpu.memref_slice %arg4[%add3A_512, %dma_start3A_516] : memref<3276800x128xf32, #tpu.memory_space<hbm>> -> memref<160x128xf32, #tpu.memory_space<hbm>>
      %dma_start3A_518 = arith.constant 0 : i32
      %dma_start3A_519 = tpu.memref_slice %arg4[%add3A_512, %dma_start3A_518] : memref<3276800x128xf32, #tpu.memory_space<hbm>> -> memref<160x128xf32, #tpu.memory_space<hbm>>
      %dma_start3A_520 = arith.constant 0 : i32
      %dma_start3A_521 = arith.constant 0 : i32
      %dma_start3A_522 = tpu.memref_slice %arg6[%dma_start3A_520, %dma_start3A_521] : memref<640x128xf32, #tpu.memory_space<vmem>> -> memref<160x128xf32, #tpu.memory_space<vmem>>
      tpu.enqueue_dma source(%dma_start3A_522 : memref<160x128xf32, #tpu.memory_space<vmem>>) target(%dma_start3A_519 : memref<160x128xf32, #tpu.memory_space<hbm>>) target_semaphore(%arg16 : memref<!tpu.dma_semaphore, #tpu.memory_space<semaphore_mem>>)
      %dma_wait3A_523 = arith.constant 320 : i32
      %dma_wait3A_524 = arith.constant 0 : i32
      %dma_wait3A_525 = tpu.memref_slice %arg6[%dma_wait3A_523, %dma_wait3A_524] : memref<640x128xf32, #tpu.memory_space<vmem>> -> memref<160x128xf32, #tpu.memory_space<vmem>>
      %dma_wait3A_526 = arith.constant 0 : i32
      %dma_wait3A_527 = arith.constant 0 : i32
      %dma_wait3A_528 = tpu.memref_slice %arg4[%dma_wait3A_526, %dma_wait3A_527] : memref<3276800x128xf32, #tpu.memory_space<hbm>> -> memref<160x128xf32, #tpu.memory_space<hbm>>
      %dma_wait3A_529 = arith.constant 0 : i32
      %dma_wait3A_530 = arith.constant 0 : i32
      %dma_wait3A_531 = tpu.memref_slice %arg4[%dma_wait3A_529, %dma_wait3A_530] : memref<3276800x128xf32, #tpu.memory_space<hbm>> -> memref<160x128xf32, #tpu.memory_space<hbm>>
      %dma_wait3A_532 = arith.constant 320 : i32
      %dma_wait3A_533 = arith.constant 0 : i32
      %dma_wait3A_534 = tpu.memref_slice %arg6[%dma_wait3A_532, %dma_wait3A_533] : memref<640x128xf32, #tpu.memory_space<vmem>> -> memref<160x128xf32, #tpu.memory_space<vmem>>
      tpu.wait_dma2 semaphore(%arg18 : memref<!tpu.dma_semaphore, #tpu.memory_space<semaphore_mem>>) src(%dma_wait3A_534 : memref<160x128xf32, #tpu.memory_space<vmem>>) dst(%dma_wait3A_531 : memref<160x128xf32, #tpu.memory_space<hbm>>)
      %mul3A_535 = arith.constant 2 : i32
      %mul3A_536 = arith.muli %mul3A_535, %add3A_483 : i32
      %shift_right_arithmetic3A_537 = arith.constant 7 : i32
      %shift_right_arithmetic3A_538 = arith.shrsi %mul3A_536, %shift_right_arithmetic3A_537 : i32
      %and3A_539 = arith.constant 1 : i32
      %and3A_540 = arith.andi %shift_right_arithmetic3A_538, %and3A_539 : i32
      %mul3A_541 = arith.constant 10240 : i32
      %mul3A_542 = arith.muli %and3A_540, %mul3A_541 : i32
      %and3A_543 = arith.constant 127 : i32
      %and3A_544 = arith.andi %mul3A_536, %and3A_543 : i32
      %mul3A_545 = arith.constant 80 : i32
      %mul3A_546 = arith.muli %and3A_544, %mul3A_545 : i32
      %add3A_547 = arith.addi %mul3A_542, %mul3A_546 : i32
      %dma_start3A_548 = arith.constant 320 : i32
      %dma_start3A_549 = arith.constant 0 : i32
      %dma_start3A_550 = tpu.memref_slice %arg6[%dma_start3A_548, %dma_start3A_549] : memref<640x128xf32, #tpu.memory_space<vmem>> -> memref<80x128xf32, #tpu.memory_space<vmem>>
      %dma_start3A_551 = tpu.memref_slice %arg5[%add3A_547] : memref<20480xi32, #tpu.memory_space<vmem>> -> memref<80xi32, #tpu.memory_space<vmem>>
      %dma_start3A_552 = arith.constant 0 : i32
      %dma_start3A_553 = arith.constant 0 : i32
      %dma_start3A_554 = tpu.memref_slice %arg7[%dma_start3A_552, %dma_start3A_553] : memref<1000x128xf32, #tpu.memory_space<vmem_shared>> -> memref<1000x128xf32, #tpu.memory_space<vmem_shared>>
      tpu.enqueue_indirect_dma source(%dma_start3A_554 : memref<1000x128xf32, #tpu.memory_space<vmem_shared>>) target(%dma_start3A_550 : memref<80x128xf32, #tpu.memory_space<vmem>>) offsets(%dma_start3A_551 : memref<80xi32, #tpu.memory_space<vmem>>) semaphore(%arg12 : memref<!tpu.dma_semaphore, #tpu.memory_space<semaphore_mem>>)
      %mul3A_555 = arith.constant 2 : i32
      %mul3A_556 = arith.muli %mul3A_555, %add3A_483 : i32
      %add3A_557 = arith.constant 1 : i32
      %add3A_558 = arith.addi %mul3A_556, %add3A_557 : i32
      %shift_right_arithmetic3A_559 = arith.constant 7 : i32
      %shift_right_arithmetic3A_560 = arith.shrsi %add3A_558, %shift_right_arithmetic3A_559 : i32
      %and3A_561 = arith.constant 1 : i32
      %and3A_562 = arith.andi %shift_right_arithmetic3A_560, %and3A_561 : i32
      %mul3A_563 = arith.constant 10240 : i32
      %mul3A_564 = arith.muli %and3A_562, %mul3A_563 : i32
      %and3A_565 = arith.constant 127 : i32
      %and3A_566 = arith.andi %add3A_558, %and3A_565 : i32
      %mul3A_567 = arith.constant 80 : i32
      %mul3A_568 = arith.muli %and3A_566, %mul3A_567 : i32
      %add3A_569 = arith.addi %mul3A_564, %mul3A_568 : i32
      %dma_start3A_570 = arith.constant 400 : i32
      %dma_start3A_571 = arith.constant 0 : i32
      %dma_start3A_572 = tpu.memref_slice %arg6[%dma_start3A_570, %dma_start3A_571] : memref<640x128xf32, #tpu.memory_space<vmem>> -> memref<80x128xf32, #tpu.memory_space<vmem>>
      %dma_start3A_573 = tpu.memref_slice %arg5[%add3A_569] : memref<20480xi32, #tpu.memory_space<vmem>> -> memref<80xi32, #tpu.memory_space<vmem>>
      %dma_start3A_574 = arith.constant 0 : i32
      %dma_start3A_575 = arith.constant 0 : i32
      %dma_start3A_576 = tpu.memref_slice %arg7[%dma_start3A_574, %dma_start3A_575] : memref<1000x128xf32, #tpu.memory_space<vmem_shared>> -> memref<1000x128xf32, #tpu.memory_space<vmem_shared>>
      tpu.enqueue_indirect_dma source(%dma_start3A_576 : memref<1000x128xf32, #tpu.memory_space<vmem_shared>>) target(%dma_start3A_572 : memref<80x128xf32, #tpu.memory_space<vmem>>) offsets(%dma_start3A_573 : memref<80xi32, #tpu.memory_space<vmem>>) semaphore(%arg13 : memref<!tpu.dma_semaphore, #tpu.memory_space<semaphore_mem>>)
      %add3A_577 = arith.constant 3 : i32
      %add3A_578 = arith.addi %add3A_278, %add3A_577 : i32
      %dma_wait3A_579 = arith.constant 160 : i32
      %dma_wait3A_580 = arith.constant 0 : i32
      %dma_wait3A_581 = tpu.memref_slice %arg6[%dma_wait3A_579, %dma_wait3A_580] : memref<640x128xf32, #tpu.memory_space<vmem>> -> memref<80x128xf32, #tpu.memory_space<vmem>>
      %dma_wait3A_582 = arith.constant 0 : i32
      %dma_wait3A_583 = arith.constant 0 : i32
      %dma_wait3A_584 = tpu.memref_slice %arg4[%dma_wait3A_582, %dma_wait3A_583] : memref<3276800x128xf32, #tpu.memory_space<hbm>> -> memref<80x128xf32, #tpu.memory_space<hbm>>
      %dma_wait3A_585 = arith.constant 160 : i32
      %dma_wait3A_586 = arith.constant 0 : i32
      %dma_wait3A_587 = tpu.memref_slice %arg6[%dma_wait3A_585, %dma_wait3A_586] : memref<640x128xf32, #tpu.memory_space<vmem>> -> memref<80x128xf32, #tpu.memory_space<vmem>>
      %dma_wait3A_588 = arith.constant 0 : i32
      %dma_wait3A_589 = arith.constant 0 : i32
      %dma_wait3A_590 = tpu.memref_slice %arg4[%dma_wait3A_588, %dma_wait3A_589] : memref<3276800x128xf32, #tpu.memory_space<hbm>> -> memref<80x128xf32, #tpu.memory_space<hbm>>
      tpu.wait_dma2 semaphore(%arg10 : memref<!tpu.dma_semaphore, #tpu.memory_space<semaphore_mem>>) src(%dma_wait3A_590 : memref<80x128xf32, #tpu.memory_space<hbm>>) dst(%dma_wait3A_587 : memref<80x128xf32, #tpu.memory_space<vmem>>)
      %dma_wait3A_591 = arith.constant 240 : i32
      %dma_wait3A_592 = arith.constant 0 : i32
      %dma_wait3A_593 = tpu.memref_slice %arg6[%dma_wait3A_591, %dma_wait3A_592] : memref<640x128xf32, #tpu.memory_space<vmem>> -> memref<80x128xf32, #tpu.memory_space<vmem>>
      %dma_wait3A_594 = arith.constant 0 : i32
      %dma_wait3A_595 = arith.constant 0 : i32
      %dma_wait3A_596 = tpu.memref_slice %arg4[%dma_wait3A_594, %dma_wait3A_595] : memref<3276800x128xf32, #tpu.memory_space<hbm>> -> memref<80x128xf32, #tpu.memory_space<hbm>>
      %dma_wait3A_597 = arith.constant 240 : i32
      %dma_wait3A_598 = arith.constant 0 : i32
      %dma_wait3A_599 = tpu.memref_slice %arg6[%dma_wait3A_597, %dma_wait3A_598] : memref<640x128xf32, #tpu.memory_space<vmem>> -> memref<80x128xf32, #tpu.memory_space<vmem>>
      %dma_wait3A_600 = arith.constant 0 : i32
      %dma_wait3A_601 = arith.constant 0 : i32
      %dma_wait3A_602 = tpu.memref_slice %arg4[%dma_wait3A_600, %dma_wait3A_601] : memref<3276800x128xf32, #tpu.memory_space<hbm>> -> memref<80x128xf32, #tpu.memory_space<hbm>>
      tpu.wait_dma2 semaphore(%arg11 : memref<!tpu.dma_semaphore, #tpu.memory_space<semaphore_mem>>) src(%dma_wait3A_602 : memref<80x128xf32, #tpu.memory_space<hbm>>) dst(%dma_wait3A_599 : memref<80x128xf32, #tpu.memory_space<vmem>>)
      %sub3A_603 = arith.constant 2 : i32
      %sub3A_604 = arith.subi %add3A_578, %sub3A_603 : i32
      %mul3A_605 = arith.constant 160 : i32
      %mul3A_606 = arith.muli %sub3A_604, %mul3A_605 : i32
      %add3A_607 = arith.addi %mul3A_2, %mul3A_606 : i32
      %dma_start3A_608 = arith.constant 160 : i32
      %dma_start3A_609 = arith.constant 0 : i32
      %dma_start3A_610 = tpu.memref_slice %arg6[%dma_start3A_608, %dma_start3A_609] : memref<640x128xf32, #tpu.memory_space<vmem>> -> memref<160x128xf32, #tpu.memory_space<vmem>>
      %dma_start3A_611 = arith.constant 0 : i32
      %dma_start3A_612 = tpu.memref_slice %arg4[%add3A_607, %dma_start3A_611] : memref<3276800x128xf32, #tpu.memory_space<hbm>> -> memref<160x128xf32, #tpu.memory_space<hbm>>
      %dma_start3A_613 = arith.constant 0 : i32
      %dma_start3A_614 = tpu.memref_slice %arg4[%add3A_607, %dma_start3A_613] : memref<3276800x128xf32, #tpu.memory_space<hbm>> -> memref<160x128xf32, #tpu.memory_space<hbm>>
      %dma_start3A_615 = arith.constant 160 : i32
      %dma_start3A_616 = arith.constant 0 : i32
      %dma_start3A_617 = tpu.memref_slice %arg6[%dma_start3A_615, %dma_start3A_616] : memref<640x128xf32, #tpu.memory_space<vmem>> -> memref<160x128xf32, #tpu.memory_space<vmem>>
      tpu.enqueue_dma source(%dma_start3A_617 : memref<160x128xf32, #tpu.memory_space<vmem>>) target(%dma_start3A_614 : memref<160x128xf32, #tpu.memory_space<hbm>>) target_semaphore(%arg17 : memref<!tpu.dma_semaphore, #tpu.memory_space<semaphore_mem>>)
      %dma_wait3A_618 = arith.constant 480 : i32
      %dma_wait3A_619 = arith.constant 0 : i32
      %dma_wait3A_620 = tpu.memref_slice %arg6[%dma_wait3A_618, %dma_wait3A_619] : memref<640x128xf32, #tpu.memory_space<vmem>> -> memref<160x128xf32, #tpu.memory_space<vmem>>
      %dma_wait3A_621 = arith.constant 0 : i32
      %dma_wait3A_622 = arith.constant 0 : i32
      %dma_wait3A_623 = tpu.memref_slice %arg4[%dma_wait3A_621, %dma_wait3A_622] : memref<3276800x128xf32, #tpu.memory_space<hbm>> -> memref<160x128xf32, #tpu.memory_space<hbm>>
      %dma_wait3A_624 = arith.constant 0 : i32
      %dma_wait3A_625 = arith.constant 0 : i32
      %dma_wait3A_626 = tpu.memref_slice %arg4[%dma_wait3A_624, %dma_wait3A_625] : memref<3276800x128xf32, #tpu.memory_space<hbm>> -> memref<160x128xf32, #tpu.memory_space<hbm>>
      %dma_wait3A_627 = arith.constant 480 : i32
      %dma_wait3A_628 = arith.constant 0 : i32
      %dma_wait3A_629 = tpu.memref_slice %arg6[%dma_wait3A_627, %dma_wait3A_628] : memref<640x128xf32, #tpu.memory_space<vmem>> -> memref<160x128xf32, #tpu.memory_space<vmem>>
      tpu.wait_dma2 semaphore(%arg19 : memref<!tpu.dma_semaphore, #tpu.memory_space<semaphore_mem>>) src(%dma_wait3A_629 : memref<160x128xf32, #tpu.memory_space<vmem>>) dst(%dma_wait3A_626 : memref<160x128xf32, #tpu.memory_space<hbm>>)
      %mul3A_630 = arith.constant 2 : i32
      %mul3A_631 = arith.muli %mul3A_630, %add3A_578 : i32
      %shift_right_arithmetic3A_632 = arith.constant 7 : i32
      %shift_right_arithmetic3A_633 = arith.shrsi %mul3A_631, %shift_right_arithmetic3A_632 : i32
      %and3A_634 = arith.constant 1 : i32
      %and3A_635 = arith.andi %shift_right_arithmetic3A_633, %and3A_634 : i32
      %mul3A_636 = arith.constant 10240 : i32
      %mul3A_637 = arith.muli %and3A_635, %mul3A_636 : i32
      %and3A_638 = arith.constant 127 : i32
      %and3A_639 = arith.andi %mul3A_631, %and3A_638 : i32
      %mul3A_640 = arith.constant 80 : i32
      %mul3A_641 = arith.muli %and3A_639, %mul3A_640 : i32
      %add3A_642 = arith.addi %mul3A_637, %mul3A_641 : i32
      %dma_start3A_643 = arith.constant 480 : i32
      %dma_start3A_644 = arith.constant 0 : i32
      %dma_start3A_645 = tpu.memref_slice %arg6[%dma_start3A_643, %dma_start3A_644] : memref<640x128xf32, #tpu.memory_space<vmem>> -> memref<80x128xf32, #tpu.memory_space<vmem>>
      %dma_start3A_646 = tpu.memref_slice %arg5[%add3A_642] : memref<20480xi32, #tpu.memory_space<vmem>> -> memref<80xi32, #tpu.memory_space<vmem>>
      %dma_start3A_647 = arith.constant 0 : i32
      %dma_start3A_648 = arith.constant 0 : i32
      %dma_start3A_649 = tpu.memref_slice %arg7[%dma_start3A_647, %dma_start3A_648] : memref<1000x128xf32, #tpu.memory_space<vmem_shared>> -> memref<1000x128xf32, #tpu.memory_space<vmem_shared>>
      tpu.enqueue_indirect_dma source(%dma_start3A_649 : memref<1000x128xf32, #tpu.memory_space<vmem_shared>>) target(%dma_start3A_645 : memref<80x128xf32, #tpu.memory_space<vmem>>) offsets(%dma_start3A_646 : memref<80xi32, #tpu.memory_space<vmem>>) semaphore(%arg14 : memref<!tpu.dma_semaphore, #tpu.memory_space<semaphore_mem>>)
      %mul3A_650 = arith.constant 2 : i32
      %mul3A_651 = arith.muli %mul3A_650, %add3A_578 : i32
      %add3A_652 = arith.constant 1 : i32
      %add3A_653 = arith.addi %mul3A_651, %add3A_652 : i32
      %shift_right_arithmetic3A_654 = arith.constant 7 : i32
      %shift_right_arithmetic3A_655 = arith.shrsi %add3A_653, %shift_right_arithmetic3A_654 : i32
      %and3A_656 = arith.constant 1 : i32
      %and3A_657 = arith.andi %shift_right_arithmetic3A_655, %and3A_656 : i32
      %mul3A_658 = arith.constant 10240 : i32
      %mul3A_659 = arith.muli %and3A_657, %mul3A_658 : i32
      %and3A_660 = arith.constant 127 : i32
      %and3A_661 = arith.andi %add3A_653, %and3A_660 : i32
      %mul3A_662 = arith.constant 80 : i32
      %mul3A_663 = arith.muli %and3A_661, %mul3A_662 : i32
      %add3A_664 = arith.addi %mul3A_659, %mul3A_663 : i32
      %dma_start3A_665 = arith.constant 560 : i32
      %dma_start3A_666 = arith.constant 0 : i32
      %dma_start3A_667 = tpu.memref_slice %arg6[%dma_start3A_665, %dma_start3A_666] : memref<640x128xf32, #tpu.memory_space<vmem>> -> memref<80x128xf32, #tpu.memory_space<vmem>>
      %dma_start3A_668 = tpu.memref_slice %arg5[%add3A_664] : memref<20480xi32, #tpu.memory_space<vmem>> -> memref<80xi32, #tpu.memory_space<vmem>>
      %dma_start3A_669 = arith.constant 0 : i32
      %dma_start3A_670 = arith.constant 0 : i32
      %dma_start3A_671 = tpu.memref_slice %arg7[%dma_start3A_669, %dma_start3A_670] : memref<1000x128xf32, #tpu.memory_space<vmem_shared>> -> memref<1000x128xf32, #tpu.memory_space<vmem_shared>>
      tpu.enqueue_indirect_dma source(%dma_start3A_671 : memref<1000x128xf32, #tpu.memory_space<vmem_shared>>) target(%dma_start3A_667 : memref<80x128xf32, #tpu.memory_space<vmem>>) offsets(%dma_start3A_668 : memref<80xi32, #tpu.memory_space<vmem>>) semaphore(%arg15 : memref<!tpu.dma_semaphore, #tpu.memory_space<semaphore_mem>>)
      %jit3A_672 = arith.constant 16 : i32
      %div3A = arith.divsi %scan3A_273, %jit3A_672 : i32
      %sign3A = arith.constant 0 : i32
      %sign3A_673 = arith.cmpi sgt, %scan3A_273, %sign3A : i32
      %sign3A_674 = arith.extui %sign3A_673 : i1 to i32
      %sign3A_675 = arith.constant 0 : i32
      %sign3A_676 = arith.cmpi slt, %scan3A_273, %sign3A_675 : i32
      %sign3A_677 = arith.extui %sign3A_676 : i1 to i32
      %sign3A_678 = arith.subi %sign3A_674, %sign3A_677 : i32
      %sign3A_679 = arith.constant 0 : i32
      %sign3A_680 = arith.cmpi sgt, %jit3A_672, %sign3A_679 : i32
      %sign3A_681 = arith.extui %sign3A_680 : i1 to i32
      %sign3A_682 = arith.constant 0 : i32
      %sign3A_683 = arith.cmpi slt, %jit3A_672, %sign3A_682 : i32
      %sign3A_684 = arith.extui %sign3A_683 : i1 to i32
      %sign3A_685 = arith.subi %sign3A_681, %sign3A_684 : i32
      %ne3A_686 = arith.cmpi ne, %sign3A_678, %sign3A_685 : i32
      %rem3A_687 = arith.remsi %scan3A_273, %jit3A_672 : i32
      %ne3A_688 = arith.constant 0 : i32
      %ne3A_689 = arith.cmpi ne, %rem3A_687, %ne3A_688 : i32
      %and3A_690 = arith.andi %ne3A_686, %ne3A_689 : i1
      %sub3A_691 = arith.constant 1 : i32
      %sub3A_692 = arith.subi %div3A, %sub3A_691 : i32
      %select_n3A_693 = arith.select %and3A_690, %sub3A_692, %div3A : i32
      %jit3A_694 = arith.constant 16 : i32
      %eq3A_695 = arith.constant 0 : i32
      %eq3A_696 = arith.cmpi eq, %jit3A_694, %eq3A_695 : i32
      %jit3A_697 = arith.constant 1 : i32
      %select_n3A_698 = arith.select %eq3A_696, %jit3A_697, %jit3A_694 : i32
      %rem3A_699 = arith.remsi %scan3A_273, %select_n3A_698 : i32
      %ne3A_700 = arith.constant 0 : i32
      %ne3A_701 = arith.cmpi ne, %rem3A_699, %ne3A_700 : i32
      %lt3A_702 = arith.constant 0 : i32
      %lt3A_703 = arith.cmpi slt, %rem3A_699, %lt3A_702 : i32
      %lt3A_704 = arith.constant 0 : i32
      %lt3A_705 = arith.cmpi slt, %select_n3A_698, %lt3A_704 : i32
      %ne3A_706 = arith.xori %lt3A_703, %lt3A_705 : i1
      %and3A_707 = arith.andi %ne3A_706, %ne3A_701 : i1
      %add3A_708 = arith.addi %rem3A_699, %select_n3A_698 : i32
      %select_n3A_709 = arith.select %and3A_707, %add3A_708, %rem3A_699 : i32
      %eq3A_710 = arith.constant 0 : i32
      %eq3A_711 = arith.cmpi eq, %select_n3A_709, %eq3A_710 : i32
      %ge3A = arith.constant 16 : i32
      %ge3A_712 = arith.cmpi sge, %scan3A_273, %ge3A : i32
      %le3A = arith.constant 8 : i32
      %le3A_713 = arith.cmpi sle, %select_n3A_693, %le3A : i32
      %and3A_714 = arith.andi %ge3A_712, %le3A_713 : i1
      %and3A_715 = arith.andi %eq3A_711, %and3A_714 : i1
      %convert_element_type3A_716 = arith.extui %and3A_715 : i1 to i32
      %cond3A_717 = arith.constant 0 : i32
      %cond3A_718 = arith.cmpi ne, %convert_element_type3A_716, %cond3A_717 : i32
      scf.if %cond3A_718 {
        %add3A_720 = arith.constant 1 : i32
        %add3A_721 = arith.addi %select_n3A_693, %add3A_720 : i32
        %mul3A_722 = arith.constant 10240 : i32
        %mul3A_723 = arith.muli %add3A_721, %mul3A_722 : i32
        %add3A_724 = arith.addi %mul3A_2, %mul3A_723 : i32
        %add3A_725 = arith.constant 1 : i32
        %add3A_726 = arith.addi %select_n3A_693, %add3A_725 : i32
        %and3A_727 = arith.constant 1 : i32
        %and3A_728 = arith.andi %add3A_726, %and3A_727 : i32
        %mul3A_729 = arith.constant 10240 : i32
        %mul3A_730 = arith.muli %and3A_728, %mul3A_729 : i32
        %dma_start3A_731 = tpu.memref_slice %arg5[%mul3A_730] : memref<20480xi32, #tpu.memory_space<vmem>> -> memref<10240xi32, #tpu.memory_space<vmem>>
        %dma_start3A_732 = tpu.memref_slice %arg3[%add3A_724] : memref<3276800xi32, #tpu.memory_space<hbm>> -> memref<10240xi32, #tpu.memory_space<hbm>>
        %dma_start3A_733 = tpu.memref_slice %arg5[%mul3A_730] : memref<20480xi32, #tpu.memory_space<vmem>> -> memref<10240xi32, #tpu.memory_space<vmem>>
        %dma_start3A_734 = tpu.memref_slice %arg3[%add3A_724] : memref<3276800xi32, #tpu.memory_space<hbm>> -> memref<10240xi32, #tpu.memory_space<hbm>>
        tpu.enqueue_dma source(%dma_start3A_734 : memref<10240xi32, #tpu.memory_space<hbm>>) target(%dma_start3A_733 : memref<10240xi32, #tpu.memory_space<vmem>>) target_semaphore(%arg20 : memref<!tpu.dma_semaphore, #tpu.memory_space<semaphore_mem>>)
      } else {
      }
      %scan3A_719 = arith.constant 0 : i32
      scf.yield %scan3A_719 : i32
    }
    %scan3A_152 = arith.constant 159 : i32
    %dma_wait3A_153 = arith.constant 320 : i32
    %dma_wait3A_154 = arith.constant 0 : i32
    %dma_wait3A_155 = tpu.memref_slice %arg6[%dma_wait3A_153, %dma_wait3A_154] : memref<640x128xf32, #tpu.memory_space<vmem>> -> memref<80x128xf32, #tpu.memory_space<vmem>>
    %dma_wait3A_156 = arith.constant 0 : i32
    %dma_wait3A_157 = arith.constant 0 : i32
    %dma_wait3A_158 = tpu.memref_slice %arg4[%dma_wait3A_156, %dma_wait3A_157] : memref<3276800x128xf32, #tpu.memory_space<hbm>> -> memref<80x128xf32, #tpu.memory_space<hbm>>
    %dma_wait3A_159 = arith.constant 320 : i32
    %dma_wait3A_160 = arith.constant 0 : i32
    %dma_wait3A_161 = tpu.memref_slice %arg6[%dma_wait3A_159, %dma_wait3A_160] : memref<640x128xf32, #tpu.memory_space<vmem>> -> memref<80x128xf32, #tpu.memory_space<vmem>>
    %dma_wait3A_162 = arith.constant 0 : i32
    %dma_wait3A_163 = arith.constant 0 : i32
    %dma_wait3A_164 = tpu.memref_slice %arg4[%dma_wait3A_162, %dma_wait3A_163] : memref<3276800x128xf32, #tpu.memory_space<hbm>> -> memref<80x128xf32, #tpu.memory_space<hbm>>
    tpu.wait_dma2 semaphore(%arg12 : memref<!tpu.dma_semaphore, #tpu.memory_space<semaphore_mem>>) src(%dma_wait3A_164 : memref<80x128xf32, #tpu.memory_space<hbm>>) dst(%dma_wait3A_161 : memref<80x128xf32, #tpu.memory_space<vmem>>)
    %dma_wait3A_165 = arith.constant 400 : i32
    %dma_wait3A_166 = arith.constant 0 : i32
    %dma_wait3A_167 = tpu.memref_slice %arg6[%dma_wait3A_165, %dma_wait3A_166] : memref<640x128xf32, #tpu.memory_space<vmem>> -> memref<80x128xf32, #tpu.memory_space<vmem>>
    %dma_wait3A_168 = arith.constant 0 : i32
    %dma_wait3A_169 = arith.constant 0 : i32
    %dma_wait3A_170 = tpu.memref_slice %arg4[%dma_wait3A_168, %dma_wait3A_169] : memref<3276800x128xf32, #tpu.memory_space<hbm>> -> memref<80x128xf32, #tpu.memory_space<hbm>>
    %dma_wait3A_171 = arith.constant 400 : i32
    %dma_wait3A_172 = arith.constant 0 : i32
    %dma_wait3A_173 = tpu.memref_slice %arg6[%dma_wait3A_171, %dma_wait3A_172] : memref<640x128xf32, #tpu.memory_space<vmem>> -> memref<80x128xf32, #tpu.memory_space<vmem>>
    %dma_wait3A_174 = arith.constant 0 : i32
    %dma_wait3A_175 = arith.constant 0 : i32
    %dma_wait3A_176 = tpu.memref_slice %arg4[%dma_wait3A_174, %dma_wait3A_175] : memref<3276800x128xf32, #tpu.memory_space<hbm>> -> memref<80x128xf32, #tpu.memory_space<hbm>>
    tpu.wait_dma2 semaphore(%arg13 : memref<!tpu.dma_semaphore, #tpu.memory_space<semaphore_mem>>) src(%dma_wait3A_176 : memref<80x128xf32, #tpu.memory_space<hbm>>) dst(%dma_wait3A_173 : memref<80x128xf32, #tpu.memory_space<vmem>>)
    %add3A_177 = arith.constant 102080 : i32
    %add3A_178 = arith.addi %mul3A_2, %add3A_177 : i32
    %dma_start3A_179 = arith.constant 320 : i32
    %dma_start3A_180 = arith.constant 0 : i32
    %dma_start3A_181 = tpu.memref_slice %arg6[%dma_start3A_179, %dma_start3A_180] : memref<640x128xf32, #tpu.memory_space<vmem>> -> memref<160x128xf32, #tpu.memory_space<vmem>>
    %dma_start3A_182 = arith.constant 0 : i32
    %dma_start3A_183 = tpu.memref_slice %arg4[%add3A_178, %dma_start3A_182] : memref<3276800x128xf32, #tpu.memory_space<hbm>> -> memref<160x128xf32, #tpu.memory_space<hbm>>
    %dma_start3A_184 = arith.constant 0 : i32
    %dma_start3A_185 = tpu.memref_slice %arg4[%add3A_178, %dma_start3A_184] : memref<3276800x128xf32, #tpu.memory_space<hbm>> -> memref<160x128xf32, #tpu.memory_space<hbm>>
    %dma_start3A_186 = arith.constant 320 : i32
    %dma_start3A_187 = arith.constant 0 : i32
    %dma_start3A_188 = tpu.memref_slice %arg6[%dma_start3A_186, %dma_start3A_187] : memref<640x128xf32, #tpu.memory_space<vmem>> -> memref<160x128xf32, #tpu.memory_space<vmem>>
    tpu.enqueue_dma source(%dma_start3A_188 : memref<160x128xf32, #tpu.memory_space<vmem>>) target(%dma_start3A_185 : memref<160x128xf32, #tpu.memory_space<hbm>>) target_semaphore(%arg18 : memref<!tpu.dma_semaphore, #tpu.memory_space<semaphore_mem>>)
    %dma_wait3A_189 = arith.constant 480 : i32
    %dma_wait3A_190 = arith.constant 0 : i32
    %dma_wait3A_191 = tpu.memref_slice %arg6[%dma_wait3A_189, %dma_wait3A_190] : memref<640x128xf32, #tpu.memory_space<vmem>> -> memref<80x128xf32, #tpu.memory_space<vmem>>
    %dma_wait3A_192 = arith.constant 0 : i32
    %dma_wait3A_193 = arith.constant 0 : i32
    %dma_wait3A_194 = tpu.memref_slice %arg4[%dma_wait3A_192, %dma_wait3A_193] : memref<3276800x128xf32, #tpu.memory_space<hbm>> -> memref<80x128xf32, #tpu.memory_space<hbm>>
    %dma_wait3A_195 = arith.constant 480 : i32
    %dma_wait3A_196 = arith.constant 0 : i32
    %dma_wait3A_197 = tpu.memref_slice %arg6[%dma_wait3A_195, %dma_wait3A_196] : memref<640x128xf32, #tpu.memory_space<vmem>> -> memref<80x128xf32, #tpu.memory_space<vmem>>
    %dma_wait3A_198 = arith.constant 0 : i32
    %dma_wait3A_199 = arith.constant 0 : i32
    %dma_wait3A_200 = tpu.memref_slice %arg4[%dma_wait3A_198, %dma_wait3A_199] : memref<3276800x128xf32, #tpu.memory_space<hbm>> -> memref<80x128xf32, #tpu.memory_space<hbm>>
    tpu.wait_dma2 semaphore(%arg14 : memref<!tpu.dma_semaphore, #tpu.memory_space<semaphore_mem>>) src(%dma_wait3A_200 : memref<80x128xf32, #tpu.memory_space<hbm>>) dst(%dma_wait3A_197 : memref<80x128xf32, #tpu.memory_space<vmem>>)
    %dma_wait3A_201 = arith.constant 560 : i32
    %dma_wait3A_202 = arith.constant 0 : i32
    %dma_wait3A_203 = tpu.memref_slice %arg6[%dma_wait3A_201, %dma_wait3A_202] : memref<640x128xf32, #tpu.memory_space<vmem>> -> memref<80x128xf32, #tpu.memory_space<vmem>>
    %dma_wait3A_204 = arith.constant 0 : i32
    %dma_wait3A_205 = arith.constant 0 : i32
    %dma_wait3A_206 = tpu.memref_slice %arg4[%dma_wait3A_204, %dma_wait3A_205] : memref<3276800x128xf32, #tpu.memory_space<hbm>> -> memref<80x128xf32, #tpu.memory_space<hbm>>
    %dma_wait3A_207 = arith.constant 560 : i32
    %dma_wait3A_208 = arith.constant 0 : i32
    %dma_wait3A_209 = tpu.memref_slice %arg6[%dma_wait3A_207, %dma_wait3A_208] : memref<640x128xf32, #tpu.memory_space<vmem>> -> memref<80x128xf32, #tpu.memory_space<vmem>>
    %dma_wait3A_210 = arith.constant 0 : i32
    %dma_wait3A_211 = arith.constant 0 : i32
    %dma_wait3A_212 = tpu.memref_slice %arg4[%dma_wait3A_210, %dma_wait3A_211] : memref<3276800x128xf32, #tpu.memory_space<hbm>> -> memref<80x128xf32, #tpu.memory_space<hbm>>
    tpu.wait_dma2 semaphore(%arg15 : memref<!tpu.dma_semaphore, #tpu.memory_space<semaphore_mem>>) src(%dma_wait3A_212 : memref<80x128xf32, #tpu.memory_space<hbm>>) dst(%dma_wait3A_209 : memref<80x128xf32, #tpu.memory_space<vmem>>)
    %add3A_213 = arith.constant 102240 : i32
    %add3A_214 = arith.addi %mul3A_2, %add3A_213 : i32
    %dma_start3A_215 = arith.constant 480 : i32
    %dma_start3A_216 = arith.constant 0 : i32
    %dma_start3A_217 = tpu.memref_slice %arg6[%dma_start3A_215, %dma_start3A_216] : memref<640x128xf32, #tpu.memory_space<vmem>> -> memref<160x128xf32, #tpu.memory_space<vmem>>
    %dma_start3A_218 = arith.constant 0 : i32
    %dma_start3A_219 = tpu.memref_slice %arg4[%add3A_214, %dma_start3A_218] : memref<3276800x128xf32, #tpu.memory_space<hbm>> -> memref<160x128xf32, #tpu.memory_space<hbm>>
    %dma_start3A_220 = arith.constant 0 : i32
    %dma_start3A_221 = tpu.memref_slice %arg4[%add3A_214, %dma_start3A_220] : memref<3276800x128xf32, #tpu.memory_space<hbm>> -> memref<160x128xf32, #tpu.memory_space<hbm>>
    %dma_start3A_222 = arith.constant 480 : i32
    %dma_start3A_223 = arith.constant 0 : i32
    %dma_start3A_224 = tpu.memref_slice %arg6[%dma_start3A_222, %dma_start3A_223] : memref<640x128xf32, #tpu.memory_space<vmem>> -> memref<160x128xf32, #tpu.memory_space<vmem>>
    tpu.enqueue_dma source(%dma_start3A_224 : memref<160x128xf32, #tpu.memory_space<vmem>>) target(%dma_start3A_221 : memref<160x128xf32, #tpu.memory_space<hbm>>) target_semaphore(%arg19 : memref<!tpu.dma_semaphore, #tpu.memory_space<semaphore_mem>>)
    %dma_wait3A_225 = arith.constant 0 : i32
    %dma_wait3A_226 = arith.constant 0 : i32
    %dma_wait3A_227 = tpu.memref_slice %arg6[%dma_wait3A_225, %dma_wait3A_226] : memref<640x128xf32, #tpu.memory_space<vmem>> -> memref<160x128xf32, #tpu.memory_space<vmem>>
    %dma_wait3A_228 = arith.constant 0 : i32
    %dma_wait3A_229 = arith.constant 0 : i32
    %dma_wait3A_230 = tpu.memref_slice %arg4[%dma_wait3A_228, %dma_wait3A_229] : memref<3276800x128xf32, #tpu.memory_space<hbm>> -> memref<160x128xf32, #tpu.memory_space<hbm>>
    %dma_wait3A_231 = arith.constant 0 : i32
    %dma_wait3A_232 = arith.constant 0 : i32
    %dma_wait3A_233 = tpu.memref_slice %arg4[%dma_wait3A_231, %dma_wait3A_232] : memref<3276800x128xf32, #tpu.memory_space<hbm>> -> memref<160x128xf32, #tpu.memory_space<hbm>>
    %dma_wait3A_234 = arith.constant 0 : i32
    %dma_wait3A_235 = arith.constant 0 : i32
    %dma_wait3A_236 = tpu.memref_slice %arg6[%dma_wait3A_234, %dma_wait3A_235] : memref<640x128xf32, #tpu.memory_space<vmem>> -> memref<160x128xf32, #tpu.memory_space<vmem>>
    tpu.wait_dma2 semaphore(%arg16 : memref<!tpu.dma_semaphore, #tpu.memory_space<semaphore_mem>>) src(%dma_wait3A_236 : memref<160x128xf32, #tpu.memory_space<vmem>>) dst(%dma_wait3A_233 : memref<160x128xf32, #tpu.memory_space<hbm>>)
    %dma_wait3A_237 = arith.constant 160 : i32
    %dma_wait3A_238 = arith.constant 0 : i32
    %dma_wait3A_239 = tpu.memref_slice %arg6[%dma_wait3A_237, %dma_wait3A_238] : memref<640x128xf32, #tpu.memory_space<vmem>> -> memref<160x128xf32, #tpu.memory_space<vmem>>
    %dma_wait3A_240 = arith.constant 0 : i32
    %dma_wait3A_241 = arith.constant 0 : i32
    %dma_wait3A_242 = tpu.memref_slice %arg4[%dma_wait3A_240, %dma_wait3A_241] : memref<3276800x128xf32, #tpu.memory_space<hbm>> -> memref<160x128xf32, #tpu.memory_space<hbm>>
    %dma_wait3A_243 = arith.constant 0 : i32
    %dma_wait3A_244 = arith.constant 0 : i32
    %dma_wait3A_245 = tpu.memref_slice %arg4[%dma_wait3A_243, %dma_wait3A_244] : memref<3276800x128xf32, #tpu.memory_space<hbm>> -> memref<160x128xf32, #tpu.memory_space<hbm>>
    %dma_wait3A_246 = arith.constant 160 : i32
    %dma_wait3A_247 = arith.constant 0 : i32
    %dma_wait3A_248 = tpu.memref_slice %arg6[%dma_wait3A_246, %dma_wait3A_247] : memref<640x128xf32, #tpu.memory_space<vmem>> -> memref<160x128xf32, #tpu.memory_space<vmem>>
    tpu.wait_dma2 semaphore(%arg17 : memref<!tpu.dma_semaphore, #tpu.memory_space<semaphore_mem>>) src(%dma_wait3A_248 : memref<160x128xf32, #tpu.memory_space<vmem>>) dst(%dma_wait3A_245 : memref<160x128xf32, #tpu.memory_space<hbm>>)
    %dma_wait3A_249 = arith.constant 320 : i32
    %dma_wait3A_250 = arith.constant 0 : i32
    %dma_wait3A_251 = tpu.memref_slice %arg6[%dma_wait3A_249, %dma_wait3A_250] : memref<640x128xf32, #tpu.memory_space<vmem>> -> memref<160x128xf32, #tpu.memory_space<vmem>>
    %dma_wait3A_252 = arith.constant 0 : i32
    %dma_wait3A_253 = arith.constant 0 : i32
    %dma_wait3A_254 = tpu.memref_slice %arg4[%dma_wait3A_252, %dma_wait3A_253] : memref<3276800x128xf32, #tpu.memory_space<hbm>> -> memref<160x128xf32, #tpu.memory_space<hbm>>
    %dma_wait3A_255 = arith.constant 0 : i32
    %dma_wait3A_256 = arith.constant 0 : i32
    %dma_wait3A_257 = tpu.memref_slice %arg4[%dma_wait3A_255, %dma_wait3A_256] : memref<3276800x128xf32, #tpu.memory_space<hbm>> -> memref<160x128xf32, #tpu.memory_space<hbm>>
    %dma_wait3A_258 = arith.constant 320 : i32
    %dma_wait3A_259 = arith.constant 0 : i32
    %dma_wait3A_260 = tpu.memref_slice %arg6[%dma_wait3A_258, %dma_wait3A_259] : memref<640x128xf32, #tpu.memory_space<vmem>> -> memref<160x128xf32, #tpu.memory_space<vmem>>
    tpu.wait_dma2 semaphore(%arg18 : memref<!tpu.dma_semaphore, #tpu.memory_space<semaphore_mem>>) src(%dma_wait3A_260 : memref<160x128xf32, #tpu.memory_space<vmem>>) dst(%dma_wait3A_257 : memref<160x128xf32, #tpu.memory_space<hbm>>)
    %dma_wait3A_261 = arith.constant 480 : i32
    %dma_wait3A_262 = arith.constant 0 : i32
    %dma_wait3A_263 = tpu.memref_slice %arg6[%dma_wait3A_261, %dma_wait3A_262] : memref<640x128xf32, #tpu.memory_space<vmem>> -> memref<160x128xf32, #tpu.memory_space<vmem>>
    %dma_wait3A_264 = arith.constant 0 : i32
    %dma_wait3A_265 = arith.constant 0 : i32
    %dma_wait3A_266 = tpu.memref_slice %arg4[%dma_wait3A_264, %dma_wait3A_265] : memref<3276800x128xf32, #tpu.memory_space<hbm>> -> memref<160x128xf32, #tpu.memory_space<hbm>>
    %dma_wait3A_267 = arith.constant 0 : i32
    %dma_wait3A_268 = arith.constant 0 : i32
    %dma_wait3A_269 = tpu.memref_slice %arg4[%dma_wait3A_267, %dma_wait3A_268] : memref<3276800x128xf32, #tpu.memory_space<hbm>> -> memref<160x128xf32, #tpu.memory_space<hbm>>
    %dma_wait3A_270 = arith.constant 480 : i32
    %dma_wait3A_271 = arith.constant 0 : i32
    %dma_wait3A_272 = tpu.memref_slice %arg6[%dma_wait3A_270, %dma_wait3A_271] : memref<640x128xf32, #tpu.memory_space<vmem>> -> memref<160x128xf32, #tpu.memory_space<vmem>>
    tpu.wait_dma2 semaphore(%arg19 : memref<!tpu.dma_semaphore, #tpu.memory_space<semaphore_mem>>) src(%dma_wait3A_272 : memref<160x128xf32, #tpu.memory_space<vmem>>) dst(%dma_wait3A_269 : memref<160x128xf32, #tpu.memory_space<hbm>>)
    return
  }
}

</mosaic_0001>

<sc_bundles>
// kernel: kernel.3.cloned.1.call-start
scs
__scs_entry_jumppad:
0x0: {  	(pc) =	sbr.rel $0x88, $3  }
0x1: {  	(tag) =	ssettag $0x0;
	lr =	simm.s32 $0x1  }
0x2: {  	[smem:$0x3F9F] =	sst lr;
	_ =	strace $0xD0000000  }
0x3: {  	_ = 	snop  }
0x4: {  	_ = 	snop  }
0x5: {  	_ = 	snop  }
0x6: {  	_ = 	snop  }
0x7: {  	_ = 	snop  }
__scs_overlays_trampoline_lowered:
0x8: {  	[smem:$0x3FAE] =	sst s0  }
0x9: {  	[smem:$0x3FAF] =	sst s1  }
0xa: {  	[smem:$0x3FB0] =	sst s2  }
0xb: {  	[smem:$0x3FB1] =	sst s3  }
0xc: {  	[smem:$0x3FB2] =	sst s4  }
0xd: {  	[smem:$0x3FB3] =	sst s5  }
0xe: {  	[smem:$0x3FB4] =	sst s6  }
0xf: {  	[smem:$0x3FB5] =	sst s7  }
0x10: {  	[smem:$0x3FB6] =	sst s8  }
0x11: {  	[smem:$0x3FB7] =	sst s9;
	s0 =	simm.s32 @!p0 $0x0  }
0x12: {  	s1 =	sld [smem:$0x3F9D];
	s0 =	simm.s32 @p0 $0x1  }
0x13: {  	[smem:$0x3FB8] =	sst s0;
	s0 =	simm.s32 @!p1 $0x0  }
0x14: {  	s2 =	sld [smem:$0x3F9C];
	s0 =	simm.s32 @p1 $0x1  }
0x15: {  	[smem:$0x3FB9] =	sst s0;
	s0 =	simm.s32 @!p2 $0x0  }
0x16: {  	s3 =	sld [smem:$0x3FDB];
	s0 =	simm.s32 @p2 $0x1  }
0x17: {  	s4 =	simm.s32 $0x1BF5;
	[smem:$0x3FBB] =	sst s0  }
0x18: {  	s0 =	sld [smem:$0x3F9E];
	_ =	swait.ge [sflag:s4], $0x0  }
0x19: {  	s7 =	sld [smem:$0x3F9F]  }
0x1a: {  	s8 =	sadd.s32 $0xFFFFE003, lr  }
0x1b: {  	s9 =	sadd.s32 $0xFFFFFEF7, lr;
	s5 =	simm.s32 $0xFFFFFFFF;
	p2 =	slt.u32 s8, $0xFFFFF086  }
0x1c: {  	p1 =	slt.u32 s9, $0xF7A;
	s5 =	simm.s32 @!p2 $0x0  }
0x1d: {  	s5 =	simm.s32 @p1 $0x1;
	p0 =	seq.s32 s7, s2  }
0x1e: {  	s7 =	smul.u32 @!p0 $0xF7A, s2;
	p2 =	seq.s32 @!p0 s5, $0x0  }
0x1f: {  	s9 =	smul.u32 $0xF7A, s1;
	s8 =	simm.s32 @!p0 $0x1BF5;
	p2 =	por !p2, p0  }
0x20: {  	[sflag:s8] =	ssyncset.s32 @!p0 $0xFFFFF086;
	s6 =	sadd.s32 @!p0 s3, s7;
	s7 =	simm.s32 @!p0 $0x108  }
0x21: {  	s3 =	sadd.s32 s3, s9;
	s6 =	sadd.s32 @!p0 $0x88, s6;
	s7 =	simm.s32 @p2 $0x1082  }
0x22: {  	[simem:s7], [sflag:s8] =	dma.local @!p0 [hbm:s6], $0xF7A  }
0x23: {  	s9 =	sor.u32 $0xD0000000, s2;
	s6 =	simm.s32 $0x108;
	_ =	swait.ge @!p0 [sflag:s8], $0x0  }
0x24: {  	s3 =	sadd.s32 $0x88, s3;
	s6 =	simm.s32 @!p1 $0x1082;
	[sflag:s4] =	ssyncset.s32 $0xFFFFF086  }
0x25: {  	[simem:s6], [sflag:s4] =	dma.local [hbm:s3], $0xF7A  }
0x26: {  	[smem:$0x3F9F] =	sst s1;
	(tag) =	ssettag s2;
	_ =	strace s9  }
0x27: {  	s1 =	sld [smem:$0x3FAF]  }
0x28: {  	s2 =	sld [smem:$0x3FB0]  }
0x29: {  	s4 =	sld [smem:$0x3FB2]  }
0x2a: {  	p0 =	seq.s32 s5, $0x0;
	s5 =	sld [smem:$0x3FB3]  }
0x2b: {  	s6 =	sld [smem:$0x3FB4]  }
0x2c: {  	s7 =	sld [smem:$0x3FB5]  }
0x2d: {  	s3 =	simm.s32 $0x108;
	s8 =	sld [smem:$0x3FB6]  }
0x2e: {  	s3 =	simm.s32 @!p0 $0x1082;
	s9 =	sld [smem:$0x3FB7]  }
0x2f: {  	lr =	sadd.s32 s0, s3;
	s0 =	sld [smem:$0x3FAE]  }
0x30: {  	s3 =	sld [smem:$0x3FB1]  }
0x31: {  	[smem:$0x3FBA] =	sst s10  }
0x32: {  	s10 =	sld [smem:$0x3FB8];
	_ =	sdelay $0x3  }
0x33: {  	p0 =	seq.s32 s10, $0x1;
	s10 =	sld [smem:$0x3FBA];
	_ =	sdelay $0x3  }
0x34: {  	[smem:$0x3FBA] =	sst s10  }
0x35: {  	s10 =	sld [smem:$0x3FB9];
	_ =	sdelay $0x3  }
0x36: {  	p1 =	seq.s32 s10, $0x1;
	s10 =	sld [smem:$0x3FBA];
	_ =	sdelay $0x3  }
0x37: {  	[smem:$0x3FBA] =	sst s10  }
0x38: {  	s10 =	sld [smem:$0x3FBB]  }
0x39: {  	_ = 	snop;
	(pc) =	sbr.ind lr, $3  }
0x3a: {  	_ = 	snop  }
0x3b: {  	_ = 	snop  }
0x3c: {  	p2 =	seq.s32 s10, $0x1;
	s10 =	sld [smem:$0x3FBA]  }
0x3d: {  	_ =	shalt  }
0x3e: {  	_ =	shalt  }
0x3f: {  	_ =	shalt  }
0x40: {  	_ =	shalt  }
0x41: {  	_ =	shalt  }
0x42: {  	_ =	shalt  }
0x43: {  	_ =	shalt  }
0x44: {  	_ =	shalt  }
0x45: {  	_ =	shalt  }
0x46: {  	_ =	shalt  }
0x47: {  	_ =	shalt  }
0x48: {  	_ =	shalt  }
0x49: {  	_ =	shalt  }
0x4a: {  	_ =	shalt  }
0x4b: {  	_ =	shalt  }
0x4c: {  	_ =	shalt  }
0x4d: {  	_ =	shalt  }
0x4e: {  	_ =	shalt  }
0x4f: {  	_ =	shalt  }
0x50: {  	_ =	shalt  }
0x51: {  	_ =	shalt  }
0x52: {  	_ =	shalt  }
0x53: {  	_ =	shalt  }
0x54: {  	_ =	shalt  }
0x55: {  	_ =	shalt  }
0x56: {  	_ =	shalt  }
0x57: {  	_ =	shalt  }
0x58: {  	_ =	shalt  }
0x59: {  	_ =	shalt  }
0x5a: {  	_ =	shalt  }
0x5b: {  	_ =	shalt  }
0x5c: {  	_ =	shalt  }
0x5d: {  	_ =	shalt  }
0x5e: {  	_ =	shalt  }
0x5f: {  	_ =	shalt  }
0x60: {  	_ =	shalt  }
0x61: {  	_ =	shalt  }
0x62: {  	_ =	shalt  }
0x63: {  	_ =	shalt  }
0x64: {  	_ =	shalt  }
0x65: {  	_ =	shalt  }
0x66: {  	_ =	shalt  }
0x67: {  	_ =	shalt  }
0x68: {  	_ =	shalt  }
0x69: {  	_ =	shalt  }
0x6a: {  	_ =	shalt  }
0x6b: {  	_ =	shalt  }
0x6c: {  	_ =	shalt  }
0x6d: {  	_ =	shalt  }
0x6e: {  	_ =	shalt  }
0x6f: {  	_ =	shalt  }
0x70: {  	_ =	shalt  }
0x71: {  	_ =	shalt  }
0x72: {  	_ =	shalt  }
0x73: {  	_ =	shalt  }
0x74: {  	_ =	shalt  }
0x75: {  	_ =	shalt  }
0x76: {  	_ =	shalt  }
0x77: {  	_ =	shalt  }
0x78: {  	_ =	shalt  }
0x79: {  	_ =	shalt  }
0x7a: {  	_ =	shalt  }
0x7b: {  	_ =	shalt  }
0x7c: {  	_ =	shalt  }
0x7d: {  	_ =	shalt  }
0x7e: {  	_ =	shalt  }
0x7f: {  	_ =	shalt  }
0x80: {  	_ =	shalt  }
0x81: {  	_ =	shalt  }
0x82: {  	_ =	shalt  }
0x83: {  	_ =	shalt  }
0x84: {  	_ =	shalt  }
0x85: {  	_ =	shalt  }
0x86: {  	_ =	shalt  }
0x87: {  	_ =	shalt  }
.Lfunc_end0:
.L_simem_size_0:
called_computation_lowered:
.L_overlay_start_0:
0x88: {  	s2 =	sld [smem:$0x3FD9]  }
0x89: {  	s3 =	sld [smem:$0x3FFE];
	_ =	sdelay $0x1  }
0x8a: {  	s1 =	srdreg.scid  }
0x8b: {  	s0 =	sand.u32 $0x1, s1  }
0x8c: {  	s17 =	sshll.u32 s0, $0xA;
	s2 =	sadd.s32 s3, s2  }
0x8d: {  	s2 =	sadd.s32 s2, s17  }
0x8e: {  	[smem:$0x3FC6] =	sst s2  }
0x8f: {  	_ = 	snop  }
0x90: {  	s2 =	sld [smem:$0x3FC8]  }
0x91: {  	s18 =	sld [smem:$0x3FD0];
	(tm) =	ssettm $0x1  }
0x92: {  	s4 =	sld [smem:$0x3FFB];
	_ =	sdelay $0x3  }
0x93: {  	_ =	strace s4  }
0x94: {  	s4 =	sld [smem:$0x3FFC];
	_ =	sdelay $0x3  }
0x95: {  	_ =	strace s4  }
0x96: {  	s4 =	sld [smem:$0x3FFD];
	_ =	sdelay $0x3  }
0x97: {  	_ =	strace s4  }
0x98: {  	_ =	strace $0x8FFFFFFF  }
0x99: {  	s19 =	sld [smem:$0x3FDB];
	_ =	sdelay $0x1  }
0x9a: {  	s5 =	simm.s32 $_scs_section_size  }
0x9b: {  	s6 =	simm.s32 $_size__tile_overlayer_lowered;
	s7 =	simm.s32 $_tile_overlayer_lowered  }
0x9c: {  	s22 =	simm.s32 $0x1BFF;
	s21 =	sshll.u32 s7, $0x1;
	s4 =	sadd.s32 s5, s19  }
0x9d: {  	s8 =	simm.s32 $0x0;
	s20 =	sshll.u32 s6, $0x1;
	s6 =	sadd.s32 s21, s4  }
0x9e: {  	[timem:s8], [sflag:s22] =	dma.local [hbm:s6], s20  }
0x9f: {  	_ =	swait.ge [sflag:s22], s20  }
0xa0: {  	s5 =	ssub.s32 $0x0, s20;
	[sflag:s22] =	ssyncset.done $0x0  }
0xa1: {  	[sflag:s22] =	ssyncadd.s32 s5;
	_ =	sdelay $0x1  }
0xa2: {  	s23 =	simm.s32 $0x1B8B  }
0xa3: {  	_ =	swait.ge [sflag:s23], $0x1  }
0xa4: {  	[sflag:s23] =	ssyncset.done $0x0  }
0xa5: {  	s25 =	simm.s32 $0x1B8E;
	s24 =	sld [smem:$0x3FFE];
	[sflag:s23] =	ssyncadd.s32 $0xFFFFFFFF  }
0xa6: {  	s26 =	simm.s32 $execute0_lowered;
	[smem:$0x3FD2] =	sst s25  }
0xa7: {  	s6 =	sshll.u32 s26, $0x1;
	_ =	strace $0x80000046;
	[dreg:$0x1] =	wrdreg $0xFFFFFFFF  }
0xa8: {  	s28 =	simm.s32 $_size_execute0_lowered;
	s4 =	sadd.s32 s4, s6;
	[dreg:$0x0] =	wrdreg $0x0  }
0xa9: {  	s6 =	sshll.u32 s28, $0x1;
	[dreg:$0x2] =	wrdreg s4  }
0xaa: {  	[dreg:$0x3] =	wrdreg s6  }
0xab: {  	[dreg:$0x4] =	wrdreg $0xC0  }
0xac: {  	_ =	task [dreg:s8], $0x5FFFF  }
0xad: {  	[dreg:$0x1] =	wrdreg $0xFFFFFFFF  }
0xae: {  	[dreg:$0x0] =	wrdreg $0x60  }
0xaf: {  	[dreg:$0x2] =	wrdreg s2  }
0xb0: {  	[dreg:$0x3] =	wrdreg s24  }
0xb1: {  	[dreg:$0x4] =	wrdreg s18  }
0xb2: {  	[dreg:$0x5] =	wrdreg $0x190000  }
0xb3: {  	[dreg:$0x6] =	wrdreg $0x9  }
0xb4: {  	_ =	task.clear_ibuf [dreg:s8], $0x7FFFF;
	_ =	strace $0x90000046  }
0xb5: {  	s29 =	simm.s32 $0x9;
	_ =	strace $0x80000048  }
0xb6: {  	_ =	swait.ge [sflag:s29], $0x1  }
0xb7: {  	[sflag:s29] =	ssyncadd.s32 $0xFFFFFFFF  }
0xb8: {  	_ =	strace $0x90000048  }
0xb9: {  	_ =	sfence  }
0xba: {  	s30 =	sld [smem:$0x0];
	_ =	sdelay $0x2  }
0xbb: {  	s31 =	sshll.u32 s1, $0xD;
	s1 =	sshrl.u32 s1, $0x2  }
0xbc: {  	s3 =	sand.u32 $0x4000, s31;
	s1 =	sadd.s32 s1, s30  }
0xbd: {  	s0 =	sor.u32 s3, s0;
	s1 =	sshll.u32 s1, $0x11  }
0xbe: {  	s0 =	sor.u32 s1, s0  }
0xbf: {  	s0 =	sadd.s32 $0x8F2B, s0  }
0xc0: {  	[sflag:s0] =	ssyncadd.remote.s32 $0x1  }
0xc1: {  	_ =	sfence.sel $0xFFFF  }
0xc2: {  	[dreg:$0x0] =	wrdreg $0xFFFFFFFF;
	(pc) =	sbr.abs _section_cstart, $3  }
0xc3: {  	[dreg:$0x1] =	wrdreg $0xFFFFFFFF  }
0xc4: {  	_ =	task.clear_ibuf [dreg:s8], $0x2FFFF;
	_ =	strace $0x9FFFFFFF  }
0xc5: {  	(tm) =	ssettm $0x7FFFFFFF  }
tec
execute0_lowered:
.L_overlay_start_1:
0x0: {  	(tag) =	ssettag $0x1  }
0x1: {  	s0 =	rddreg [dreg:$0x1]  }
0x2: {  	s1 =	rddreg [dreg:$0x2];
	s3 =	srdreg.scid  }
0x3: {  	s4 =	stileid.u32;
	s2 =	rddreg [dreg:$0x3];
	s17 =	simm.s32 $0x50  }
0x4: {  	s10 =	simm.s32 $0x16800;
	s5 =	sand.u32 $0x1, s3;
	s6 =	sshll.u32 s4, $0x1  }
0x5: {  	s31 =	simm.s32 $0x5;
	s22 =	smul.u32 $0x320000, s4;
	s6 =	sor.u32 s5, s6  }
0x6: {  	s16 =	simm.s32 $0x9;
	s11 =	simm.s32 $0xC;
	s30 =	smul.u32 $0x19000, s6  }
0x7: {  	s3 =	simm.s32 $0x0;
	s24 =	sadd.s32 $0x400, s0;
	s9 =	smul.u32 $0xC80000, s6  }
0x8: {  	p0 =	sne.s32 s4, $0x0;
	s19 =	ssub.s32 $0x2, s5;
	s6 =	smul.u32 $0x190000, s6  }
0x9: {  	[smem:$0x7FF] =	sst s3;
	s5 =	smul.u32 $0x190000, s5;
	s7 =	sshrl.u32 s19, $0x1  }
0xa: {  	_ =	strace $0x80000047;
	s0 =	ssub.s32 s19, s7;
	s23 =	sadd.s32 s1, s6  }
0xb: {  	s8 =	sshrl.u32 s30, $0x3;
	s0 =	smax.u32 s0, $0x1;
	[dreg:$0x7] =	wrdreg s23  }
0xc: {  	s21 =	sshrl.u32 s9, $0x3;
	s20 =	sadd.s32 s24, s8;
	[dreg:$0xb] =	wrdreg s0  }
0xd: {  	s9 =	simm.s32 $0x6;
	s26 =	sadd.s32 $0xA00, s23;
	[dreg:$0x5] =	wrdreg s20  }
0xe: {  	s25 =	sadd.s32 s1, s21;
	s0 =	sshrl.u32 @!p0 s2, $0x3;
	[dreg:$0x8] =	wrdreg s26  }
0xf: {  	s1 =	sadd.s32 s22, s1;
	s7 =	sadd.s32 $0x500, s20;
	[dreg:$0xd] =	wrdreg s0  }
0x10: {  	s8 =	simm.s32 $0x14000;
	s28 =	sadd.s32 $0x18EC00, s25;
	[dreg:$0x6] =	wrdreg s7  }
0x11: {  	s6 =	sadd.s32 $0x18F600, s25;
	s1 =	sadd.s32 s5, s1;
	[dreg:$0x9] =	wrdreg s28  }
0x12: {  	[dreg:$0xa] =	wrdreg s6;
	s29 =	sadd.s32 $0x1E00, s1;
	s6 =	simm.s32 $0xF000  }
0x13: {  	s1 =	simm.s32 $0x0;
	s7 =	simm.s32 $0x7;
	[dreg:$0xc] =	wrdreg s29  }
.LBB2_1:
0x14: {  	[dreg:$0xe] =	wrdreg s1  }
0x15: {  	s0 =	rddreg [dreg:$0x0]  }
0x16: {  	s1 =	simm.s32 @!p0 $0x1C0E;
	s4 =	rddreg [dreg:$0xd]  }
0x17: {  	[spmem:s4], [sflag:s1] =	dma.local @!p0 [hbm:s0], $0x3E80  }
0x18: {  	s1 =	simm.s32 @!p0 $0xE  }
0x19: {  	_ =	swait.ge @!p0 [sflag:s1], $0x3E80  }
0x1a: {  	[sflag:s1] =	ssyncset.done @!p0 $0x0  }
0x1b: {  	[sflag:s1] =	ssyncadd.s32 @!p0 $0xFFFFC180  }
0x1c: {  	[bflag:$0x0] =	sbarrier.arrive $0xFFFF  }
0x1d: {  	s20 =	simm.s32 $0xE;
	s19 =	rddreg [dreg:$0x5]  }
0x1e: {  	[tilespmem:s3], [sflag:$0xE] =	stream.linear.gather [hbm4b:s19+s3], $0x2800, $0x38;
	[tilespmem:$0x1AF40] =	vst v63  }
0x1f: {  	_ =	swait.ge [sflag:s20], $0x2800  }
0x20: {  	[sflag:s20] =	ssyncset.done $0x0  }
0x21: {  	s22 =	simm.s32 $0x2800;
	s21 =	rddreg [dreg:$0x6];
	[sflag:s20] =	ssyncadd.s32 $0xFFFFD800  }
0x22: {  	[tilespmem:s22], [sflag:$0xD] =	stream.linear.gather [hbm4b:s21+s3], $0x2800, $0x38;
	[tilespmem:$0x1AF40] =	vst v63  }
0x23: {  	s23 =	simm.s32 $0x5000  }
0x24: {  	[tilespmem:s23], [sflag:$0x1] =	stream.indirect.gather [spmem:s2], $0x80, s3, s17, $0xb8;
	[tilespmem:$0x1AF40] =	vst v63  }
0x25: {  	s25 =	simm.s32 $0x7800  }
0x26: {  	[tilespmem:s25], [sflag:$0x2] =	stream.indirect.gather [spmem:s2], $0x80, s17, s17, $0xb8;
	[tilespmem:$0x1AF40] =	vst v63  }
0x27: {  	s26 =	simm.s32 $0xA0;
	s29 =	simm.s32 $0xA000  }
0x28: {  	[tilespmem:s29], [sflag:$0x3] =	stream.indirect.gather [spmem:s2], $0x80, s26, s17, $0xb8;
	[tilespmem:$0x1AF40] =	vst v63  }
0x29: {  	s12 =	simm.s32 $0xF0;
	s5 =	simm.s32 $0xC800  }
0x2a: {  	[tilespmem:s5], [sflag:$0x4] =	stream.indirect.gather [spmem:s2], $0x80, s12, s17, $0xb8;
	[tilespmem:$0x1AF40] =	vst v63  }
0x2b: {  	s13 =	simm.s32 $0x140  }
0x2c: {  	[tilespmem:s6], [sflag:$0x5] =	stream.indirect.gather [spmem:s2], $0x80, s13, s17, $0xb8;
	[tilespmem:$0x1AF40] =	vst v63  }
0x2d: {  	s14 =	simm.s32 $0x190;
	s15 =	simm.s32 $0x11800  }
0x2e: {  	[tilespmem:s15], [sflag:$0x6] =	stream.indirect.gather [spmem:s2], $0x80, s14, s17, $0xb8;
	[tilespmem:$0x1AF40] =	vst v63  }
0x2f: {  	s18 =	simm.s32 $0x1E0  }
0x30: {  	[tilespmem:s8], [sflag:$0x7] =	stream.indirect.gather [spmem:s2], $0x80, s18, s17, $0xb8;
	[tilespmem:$0x1AF40] =	vst v63  }
0x31: {  	s19 =	simm.s32 $0x230;
	s20 =	simm.s32 $0x1  }
0x32: {  	[tilespmem:s10], [sflag:$0x8] =	stream.indirect.gather [spmem:s2], $0x80, s19, s17, $0xb8;
	[tilespmem:$0x1AF40] =	vst v63  }
0x33: {  	_ =	swait.ge [sflag:s20], $0x2800  }
0x34: {  	[sflag:s20] =	ssyncset.done $0x0  }
0x35: {  	s21 =	simm.s32 $0x2;
	[sflag:s20] =	ssyncadd.s32 $0xFFFFD800  }
0x36: {  	_ =	swait.ge [sflag:s21], $0x2800  }
0x37: {  	[sflag:s21] =	ssyncset.done $0x0  }
0x38: {  	s22 =	rddreg [dreg:$0x7];
	[sflag:s21] =	ssyncadd.s32 $0xFFFFD800  }
0x39: {  	[hbm4b:s22+s3] =	stream.linear.scatter [tilespmem:s23], [sflag:$0x9], $0x5000, $0x38;
	[tilespmem:$0x1AF40] =	vst v63  }
0x3a: {  	s23 =	simm.s32 $0x3  }
0x3b: {  	_ =	swait.ge [sflag:s23], $0x2800  }
0x3c: {  	s28 =	simm.s32 $0xA000000;
	[sflag:s23] =	ssyncset.done $0x0  }
0x3d: {  	s1 =	simm.s32 $0x1F;
	s25 =	simm.s32 $0x4;
	[sflag:s23] =	ssyncadd.s32 $0xFFFFD800  }
0x3e: {  	s12 =	simm.s32 $0x0;
	s6 =	simm.s32 $0x5;
	_ =	swait.ge [sflag:s25], $0x2800  }
0x3f: {  	s15 =	simm.s32 $0xF;
	s14 =	simm.s32 $0x17;
	[sflag:s25] =	ssyncset.done $0x0  }
0x40: {  	s23 =	sand.u32 $0xF, s3;
	s26 =	rddreg [dreg:$0x8];
	[sflag:s25] =	ssyncadd.s32 $0xFFFFD800  }
0x41: {  	[hbm4b:s26+s3] =	stream.linear.scatter [tilespmem:s29], [sflag:$0xA], $0x5000, $0x38;
	[tilespmem:$0x1AF40] =	vst v63  }
0x42: {  	s8 =	simm.s32 $0x0;
	p3 =	sne.s32 s23, $0xF;
	s29 =	simm.s32 $0x8  }
0x43: {  	s19 =	rddreg [dreg:$0xc];
	s21 =	simm.s32 @!p3 $0xD;
	s4 =	sand.u32 $0x78, s29  }
0x44: {  	s5 =	sadd.s32 $0xFFFFF600, s19;
	s13 =	smov.u32 s19;
	s18 =	smul.u32 $0x140, s4  }
.LBB2_2:
0x45: {  	s25 =	sadd.s32 $0xFFFFFFFF, s6;
	_ =	swait.ge @!p3 [sflag:s21], $0x2800;
	s6 =	sadd.s32 $0x4, s6  }
0x46: {  	s4 =	smov.u32 s1;
	s1 =	sadd.s32 $0x8, s1;
	s26 =	smov.u32 s24  }
0x47: {  	s24 =	smov.u32 s30;
	s30 =	sshll.u32 s6, $0x19;
	[sflag:s21] =	ssyncset.done @!p3 $0x0  }
0x48: {  	p1 =	sne.s32 s1, $0x507;
	[sflag:s21] =	ssyncadd.s32 @!p3 $0xFFFFD800;
	s21 =	sshll.u32 s25, $0x19  }
0x49: {  	_ =	swait.ge [sflag:s31], $0x2800;
	s21 =	sshra.s32 s21, $0x1F  }
0x4a: {  	[sflag:s31] =	ssyncset.done $0x0;
	s21 =	sand.u32 $0x2800, s21  }
0x4b: {  	s18 =	sshrl.u32 s18, $0x2;
	[sflag:s31] =	ssyncadd.s32 $0xFFFFD800  }
0x4c: {  	s29 =	simm.s32 $0x5000;
	s0 =	sadd.s32 $0xFFFFFFF0, s8;
	_ =	swait.ge [sflag:s9], $0x2800  }
0x4d: {  	s20 =	sadd.s32 $0xFFFFFFFE, s15;
	s8 =	sadd.s32 $0x1, s8;
	[sflag:s9] =	ssyncset.done $0x0  }
0x4e: {  	s25 =	sadd.s32 $0xFFFFFFFD, s15;
	s31 =	simm.s32 $0xF000;
	[sflag:s9] =	ssyncadd.s32 $0xFFFFD800  }
0x4f: {  	[hbm4b:s5+s3] =	stream.linear.scatter [tilespmem:s31], [sflag:$0xB], $0x5000, $0x38;
	[tilespmem:$0x1AF40] =	vst v63  }
0x50: {  	p3 =	sne.s32 s23, $0x0;
	s5 =	sadd.s32 s18, s21;
	_ =	swait.ge [sflag:s16], $0x5000  }
0x51: {  	p4 =	sgt.u32 @!p3 s0, $0x7F;
	s0 =	simm.s32 $0xC800;
	[sflag:s16] =	ssyncset.done $0x0  }
0x52: {  	s21 =	sadd.s32 $0xFFFFFFFB, s15;
	s18 =	sor.u32 $0x50, s5;
	[sflag:s16] =	ssyncadd.s32 $0xFFFFB000  }
0x53: {  	[tilespmem:s29], [sflag:$0x1] =	stream.indirect.gather [spmem:s2], $0x80, s5, s17, $0xb8;
	[tilespmem:$0x1AF40] =	vst v63  }
0x54: {  	s9 =	simm.s32 $0x8;
	s16 =	simm.s32 $0x7800;
	s5 =	sadd.s32 $0xFFFFFFFF, s15  }
0x55: {  	[tilespmem:s16], [sflag:$0x2] =	stream.indirect.gather [spmem:s2], $0x80, s18, s17, $0xb8;
	[tilespmem:$0x1AF40] =	vst v63  }
0x56: {  	s18 =	sshra.s32 s28, $0x1F;
	s28 =	sshll.u32 s25, $0x18;
	s25 =	sand.u32 $0x7C, s25  }
0x57: {  	_ =	swait.ge [sflag:s7], $0x2800;
	s16 =	sand.u32 $0x2800, s18;
	s18 =	sand.u32 $0x7A, s21  }
0x58: {  	s21 =	sshll.u32 s20, $0x18;
	[sflag:s7] =	ssyncset.done $0x0;
	s22 =	smul.u32 $0x140, s18  }
0x59: {  	s18 =	sshra.s32 s21, $0x1F;
	s21 =	sshra.s32 s28, $0x1F;
	[sflag:s7] =	ssyncadd.s32 $0xFFFFD800  }
0x5a: {  	s28 =	smov.u32 s30;
	s30 =	smov.u32 s24;
	_ =	swait.ge [sflag:s9], $0x2800  }
0x5b: {  	s24 =	smov.u32 s26;
	s26 =	simm.s32 $0xA;
	[sflag:s9] =	ssyncset.done $0x0  }
0x5c: {  	s22 =	sshrl.u32 s22, $0x2;
	[sflag:s9] =	ssyncadd.s32 $0xFFFFD800;
	s9 =	simm.s32 $0x14000  }
0x5d: {  	[hbm4b:s13+s3] =	stream.linear.scatter [tilespmem:s9], [sflag:$0xC], $0x5000, $0x38;
	[tilespmem:$0x1AF40] =	vst v63  }
0x5e: {  	s20 =	sand.u32 $0x7D, s20;
	s21 =	sand.u32 $0x2800, s21;
	_ =	swait.ge [sflag:s26], $0x5000  }
0x5f: {  	s16 =	sadd.s32 s22, s16;
	s22 =	smul.u32 $0x140, s25;
	[sflag:s26] =	ssyncset.done $0x0  }
0x60: {  	s23 =	sadd.s32 $0x50, s16;
	[sflag:s26] =	ssyncadd.s32 $0xFFFFB000;
	s26 =	simm.s32 $0xA000  }
0x61: {  	[tilespmem:s26], [sflag:$0x3] =	stream.indirect.gather [spmem:s2], $0x80, s16, s17, $0xb8;
	[tilespmem:$0x1AF40] =	vst v63  }
0x62: {  	s20 =	smul.u32 $0x140, s20;
	s16 =	sshrl.u32 s22, $0x2;
	s22 =	simm.s32 $0x1  }
0x63: {  	[tilespmem:s0], [sflag:$0x4] =	stream.indirect.gather [spmem:s2], $0x80, s23, s17, $0xb8;
	[tilespmem:$0x1AF40] =	vst v63  }
0x64: {  	p2 =	por p4, p3;
	s0 =	sadd.s32 s16, s21;
	_ =	swait.ge [sflag:s22], $0x2800  }
0x65: {  	s12 =	sshrl.u32 @!p2 s12, $0x4;
	s16 =	sadd.s32 $0xA00, s13;
	[sflag:s22] =	ssyncset.done $0x0  }
0x66: {  	s20 =	sshrl.u32 s20, $0x2;
	s23 =	simm.s32 $0x2;
	[sflag:s22] =	ssyncadd.s32 $0xFFFFD800  }
0x67: {  	s21 =	sadd.s32 @!p2 $0x1, s12;
	s12 =	smov.u32 s8;
	_ =	swait.ge [sflag:s23], $0x2800  }
0x68: {  	s22 =	sand.u32 @!p2 $0x1, s21;
	s21 =	smul.u32 @!p2 $0x2800, s21;
	[sflag:s23] =	ssyncset.done $0x0  }
0x69: {  	s25 =	sshll.u32 s5, $0x18;
	p5 =	seq.s32 @!p2 s22, $0x1;
	[sflag:s23] =	ssyncadd.s32 $0xFFFFD800  }
0x6a: {  	[hbm4b:s16+s3] =	stream.linear.scatter [tilespmem:s29], [sflag:$0x9], $0x5000, $0x38;
	[tilespmem:$0x1AF40] =	vst v63  }
0x6b: {  	s29 =	simm.s32 $0xB  }
0x6c: {  	p4 =	por @!p3 !p5, p4;
	s16 =	sadd.s32 @!p2 s30, s21;
	_ =	swait.ge [sflag:s29], $0x5000  }
0x6d: {  	s18 =	sand.u32 $0x2800, s18;
	p4 =	por !p4, p3;
	[sflag:s29] =	ssyncset.done $0x0  }
0x6e: {  	s18 =	sadd.s32 s20, s18;
	s23 =	sand.u32 $0xF, s8;
	[sflag:s29] =	ssyncadd.s32 $0xFFFFB000  }
0x6f: {  	[tilespmem:s31], [sflag:$0x5] =	stream.indirect.gather [spmem:s2], $0x80, s0, s17, $0xb8;
	[tilespmem:$0x1AF40] =	vst v63  }
0x70: {  	p3 =	sne.s32 s23, $0xF;
	s31 =	simm.s32 $0x5  }
0x71: {  	s0 =	sand.u32 $0x7E, s5;
	s5 =	sshrl.u32 @!p2 s16, $0x3;
	s16 =	simm.s32 $0x11800  }
0x72: {  	[tilespmem:s16], [sflag:$0x6] =	stream.indirect.gather [spmem:s2], $0x80, s18, s17, $0xb8;
	[tilespmem:$0x1AF40] =	vst v63  }
0x73: {  	s13 =	sadd.s32 $0x2800, s13;
	s18 =	simm.s32 $0x3  }
0x74: {  	s0 =	smul.u32 $0x140, s0;
	s16 =	sshra.s32 s25, $0x1F;
	_ =	swait.ge [sflag:s18], $0x2800  }
0x75: {  	s20 =	sadd.s32 @!p2 s24, s5;
	s16 =	sand.u32 $0x2800, s16;
	[sflag:s18] =	ssyncset.done $0x0  }
0x76: {  	s21 =	simm.s32 $0x4;
	s0 =	sshrl.u32 s0, $0x2;
	[sflag:s18] =	ssyncadd.s32 $0xFFFFD800  }
0x77: {  	s5 =	sadd.s32 $0x1400, s19;
	s0 =	sadd.s32 s0, s16;
	_ =	swait.ge [sflag:s21], $0x2800  }
0x78: {  	s19 =	smov.u32 s13;
	s16 =	sshll.u32 s15, $0x18;
	[sflag:s21] =	ssyncset.done $0x0  }
0x79: {  	s18 =	sadd.s32 $0xFFFFFFF9, s14;
	[sflag:s21] =	ssyncadd.s32 $0xFFFFD800;
	s21 =	sand.u32 $0x7F, s15  }
0x7a: {  	[hbm4b:s5+s3] =	stream.linear.scatter [tilespmem:s26], [sflag:$0xA], $0x5000, $0x38;
	[tilespmem:$0x1AF40] =	vst v63  }
0x7b: {  	s15 =	smov.u32 s14;
	s5 =	sshra.s32 s16, $0x1F;
	_ =	swait.ge [sflag:s11], $0x5000  }
0x7c: {  	s16 =	smul.u32 $0x140, s21;
	s14 =	sand.u32 $0x2800, s5;
	[sflag:s11] =	ssyncset.done $0x0  }
0x7d: {  	s18 =	sand.u32 $0x78, s18;
	s5 =	sadd.s32 $0xFFFFF600, s13;
	[sflag:s11] =	ssyncadd.s32 $0xFFFFB000  }
0x7e: {  	[tilespmem:s9], [sflag:$0x7] =	stream.indirect.gather [spmem:s2], $0x80, s0, s17, $0xb8;
	[tilespmem:$0x1AF40] =	vst v63  }
0x7f: {  	s22 =	simm.s32 @!p2 $0x0;
	s9 =	simm.s32 $0x6  }
0x80: {  	s18 =	smul.u32 $0x140, s18;
	s0 =	sshrl.u32 s16, $0x2;
	s16 =	simm.s32 @!p2 $0x2800  }
.Ltmp0:
0x81: {  	s0 =	sadd.s32 s0, s14;
	s16 =	simm.s32 @!p4 $0x0;
	(pc) =	sbr.rel @p1 .LBB2_2-.Ltmp0, $4  }
0x82: {  	[tilespmem:s10], [sflag:$0x8] =	stream.indirect.gather [spmem:s2], $0x80, s0, s17, $0xb8;
	[tilespmem:$0x1AF40] =	vst v63  }
0x83: {  	s21 =	simm.s32 @!p3 $0xD;
	s14 =	smov.u32 s4  }
0x84: {  	[tilespmem:s16], [sflag:$0xD] =	stream.linear.gather @!p2 [hbm4b:s20+s22], $0x2800, $0x38;
	[tilespmem:$0x1AF40] =	vst v63  }
0x85: {  	s16 =	simm.s32 $0x9  }
0x86: {  	_ =	swait.ge @!p3 [sflag:s21], $0x2800  }
0x87: {  	[sflag:s21] =	ssyncset.done @!p3 $0x0  }
0x88: {  	[sflag:s21] =	ssyncadd.s32 @!p3 $0xFFFFD800  }
0x89: {  	_ =	swait.ge [sflag:s31], $0x2800  }
0x8a: {  	[sflag:s31] =	ssyncset.done $0x0  }
0x8b: {  	[sflag:s31] =	ssyncadd.s32 $0xFFFFD800  }
0x8c: {  	_ =	swait.ge [sflag:s9], $0x2800  }
0x8d: {  	[sflag:s9] =	ssyncset.done $0x0  }
0x8e: {  	s0 =	simm.s32 $0xF000;
	s25 =	sadd.s32 $0xFFFFFFFF, s6;
	[sflag:s9] =	ssyncadd.s32 $0xFFFFD800  }
0x8f: {  	[hbm4b:s5+s3] =	stream.linear.scatter [tilespmem:s0], [sflag:$0xB], $0x5000, $0x38;
	[tilespmem:$0x1AF40] =	vst v63  }
0x90: {  	s0 =	sshll.u32 s25, $0x19  }
0x91: {  	s0 =	sshra.s32 s0, $0x1F;
	_ =	swait.ge [sflag:s16], $0x5000  }
0x92: {  	s1 =	sshrl.u32 s18, $0x2;
	s0 =	sand.u32 $0x2800, s0;
	[sflag:s16] =	ssyncset.done $0x0  }
0x93: {  	s0 =	sadd.s32 s1, s0;
	[sflag:s16] =	ssyncadd.s32 $0xFFFFB000;
	s16 =	simm.s32 $0x5000  }
0x94: {  	[tilespmem:s16], [sflag:$0x1] =	stream.indirect.gather [spmem:s2], $0x80, s0, s17, $0xb8;
	[tilespmem:$0x1AF40] =	vst v63  }
0x95: {  	s26 =	simm.s32 $0x7800;
	s0 =	sor.u32 $0x50, s0  }
0x96: {  	[tilespmem:s26], [sflag:$0x2] =	stream.indirect.gather [spmem:s2], $0x80, s0, s17, $0xb8;
	[tilespmem:$0x1AF40] =	vst v63  }
0x97: {  	_ =	swait.ge [sflag:s7], $0x2800  }
0x98: {  	[sflag:s7] =	ssyncset.done $0x0  }
0x99: {  	s20 =	simm.s32 $0x8;
	[sflag:s7] =	ssyncadd.s32 $0xFFFFD800  }
0x9a: {  	s5 =	sadd.s32 $0xFFFFFFFB, s15;
	_ =	swait.ge [sflag:s20], $0x2800  }
0x9b: {  	s18 =	simm.s32 $0xA;
	s0 =	sand.u32 $0x7A, s5;
	[sflag:s20] =	ssyncset.done $0x0  }
0x9c: {  	s26 =	simm.s32 $0x14000;
	s0 =	smul.u32 $0x140, s0;
	[sflag:s20] =	ssyncadd.s32 $0xFFFFD800  }
0x9d: {  	[hbm4b:s13+s3] =	stream.linear.scatter [tilespmem:s26], [sflag:$0xC], $0x5000, $0x38;
	[tilespmem:$0x1AF40] =	vst v63  }
0x9e: {  	s9 =	sshra.s32 s28, $0x1F;
	_ =	swait.ge [sflag:s18], $0x5000  }
0x9f: {  	s1 =	sand.u32 $0x2800, s9;
	s0 =	sshrl.u32 s0, $0x2;
	[sflag:s18] =	ssyncset.done $0x0  }
0xa0: {  	s25 =	simm.s32 $0xA000;
	s0 =	sadd.s32 s0, s1;
	[sflag:s18] =	ssyncadd.s32 $0xFFFFB000  }
0xa1: {  	[tilespmem:s25], [sflag:$0x3] =	stream.indirect.gather [spmem:s2], $0x80, s0, s17, $0xb8;
	[tilespmem:$0x1AF40] =	vst v63  }
0xa2: {  	s10 =	simm.s32 $0xC800;
	s9 =	simm.s32 $0x1;
	s0 =	sadd.s32 $0x50, s0  }
0xa3: {  	[tilespmem:s10], [sflag:$0x4] =	stream.indirect.gather [spmem:s2], $0x80, s0, s17, $0xb8;
	[tilespmem:$0x1AF40] =	vst v63  }
0xa4: {  	_ =	swait.ge [sflag:s9], $0x2800  }
0xa5: {  	[sflag:s9] =	ssyncset.done $0x0  }
0xa6: {  	s10 =	simm.s32 $0x2;
	[sflag:s9] =	ssyncadd.s32 $0xFFFFD800  }
0xa7: {  	s4 =	simm.s32 $0xF000;
	s21 =	sadd.s32 $0xFFFFFFFD, s15;
	_ =	swait.ge [sflag:s10], $0x2800  }
0xa8: {  	s28 =	sadd.s32 $0xA00, s13;
	s5 =	sand.u32 $0x7C, s21;
	[sflag:s10] =	ssyncset.done $0x0  }
0xa9: {  	s1 =	smul.u32 $0x140, s5;
	s0 =	sshll.u32 s21, $0x18;
	[sflag:s10] =	ssyncadd.s32 $0xFFFFD800  }
0xaa: {  	[hbm4b:s28+s3] =	stream.linear.scatter [tilespmem:s16], [sflag:$0x9], $0x5000, $0x38;
	[tilespmem:$0x1AF40] =	vst v63  }
0xab: {  	s1 =	sshrl.u32 s1, $0x2;
	s0 =	sshra.s32 s0, $0x1F;
	_ =	swait.ge [sflag:s29], $0x5000  }
0xac: {  	s21 =	sadd.s32 $0xFFFFFFFE, s15;
	s0 =	sand.u32 $0x2800, s0;
	[sflag:s29] =	ssyncset.done $0x0  }
0xad: {  	s0 =	sadd.s32 s1, s0;
	s28 =	sand.u32 $0x7D, s21;
	[sflag:s29] =	ssyncadd.s32 $0xFFFFB000  }
0xae: {  	[tilespmem:s4], [sflag:$0x5] =	stream.indirect.gather [spmem:s2], $0x80, s0, s17, $0xb8;
	[tilespmem:$0x1AF40] =	vst v63  }
0xaf: {  	s1 =	sshll.u32 s21, $0x18;
	s0 =	smul.u32 $0x140, s28  }
0xb0: {  	s1 =	sshra.s32 s1, $0x1F  }
0xb1: {  	s1 =	sand.u32 $0x2800, s1;
	s0 =	sshrl.u32 s0, $0x2  }
0xb2: {  	s29 =	simm.s32 $0x11800;
	s28 =	simm.s32 $0x3;
	s0 =	sadd.s32 s0, s1  }
0xb3: {  	[tilespmem:s29], [sflag:$0x6] =	stream.indirect.gather [spmem:s2], $0x80, s0, s17, $0xb8;
	[tilespmem:$0x1AF40] =	vst v63  }
0xb4: {  	_ =	swait.ge [sflag:s28], $0x2800  }
0xb5: {  	[sflag:s28] =	ssyncset.done $0x0  }
0xb6: {  	s29 =	simm.s32 $0x4;
	[sflag:s28] =	ssyncadd.s32 $0xFFFFD800  }
0xb7: {  	_ =	swait.ge [sflag:s29], $0x2800  }
0xb8: {  	[sflag:s29] =	ssyncset.done $0x0  }
0xb9: {  	s4 =	sadd.s32 $0xFFFFFFFF, s15;
	s1 =	sadd.s32 $0x1400, s19;
	[sflag:s29] =	ssyncadd.s32 $0xFFFFD800  }
0xba: {  	[hbm4b:s1+s3] =	stream.linear.scatter [tilespmem:s25], [sflag:$0xA], $0x5000, $0x38;
	[tilespmem:$0x1AF40] =	vst v63  }
0xbb: {  	p2 =	sne.s32 s23, $0x0;
	s0 =	sshll.u32 s4, $0x18;
	s1 =	sadd.s32 $0xFFFFFFF0, s8  }
0xbc: {  	s5 =	sand.u32 $0x7E, s4;
	s0 =	sshra.s32 s0, $0x1F;
	p3 =	sgt.u32 @!p2 s1, $0x7F  }
0xbd: {  	s1 =	smul.u32 $0x140, s5;
	_ =	swait.ge [sflag:s11], $0x5000;
	p1 =	por p3, p2  }
0xbe: {  	s0 =	sand.u32 $0x2800, s0;
	[sflag:s11] =	ssyncset.done $0x0;
	s4 =	sshrl.u32 @!p1 s12, $0x4  }
0xbf: {  	s1 =	sshrl.u32 s1, $0x2;
	[sflag:s11] =	ssyncadd.s32 $0xFFFFB000;
	s12 =	sand.u32 $0x7F, s15  }
0xc0: {  	s15 =	sshll.u32 s15, $0x18;
	s0 =	sadd.s32 s1, s0;
	s1 =	sadd.s32 @!p1 $0x1, s4  }
0xc1: {  	[tilespmem:s26], [sflag:$0x7] =	stream.indirect.gather [spmem:s2], $0x80, s0, s17, $0xb8;
	[tilespmem:$0x1AF40] =	vst v63  }
0xc2: {  	s5 =	sshra.s32 s15, $0x1F;
	s0 =	sand.u32 @!p1 $0x1, s1;
	s4 =	smul.u32 @!p1 $0x2800, s1  }
0xc3: {  	s15 =	simm.s32 $0x16800;
	p4 =	seq.s32 @!p1 s0, $0x1;
	s0 =	smul.u32 $0x140, s12  }
0xc4: {  	s1 =	sadd.s32 $0x1, s8;
	s5 =	sand.u32 $0x2800, s5;
	p3 =	por @!p2 !p4, p3  }
0xc5: {  	s4 =	sadd.s32 @!p1 s30, s4;
	p2 =	por !p3, p2;
	s0 =	sshrl.u32 s0, $0x2  }
0xc6: {  	s4 =	sshrl.u32 @!p1 s4, $0x3;
	s0 =	sadd.s32 s0, s5;
	s5 =	simm.s32 @!p1 $0x2800  }
0xc7: {  	[tilespmem:s15], [sflag:$0x8] =	stream.indirect.gather [spmem:s2], $0x80, s0, s17, $0xb8;
	[tilespmem:$0x1AF40] =	vst v63  }
0xc8: {  	s0 =	sadd.s32 @!p1 s24, s4;
	s5 =	simm.s32 @!p2 $0x0;
	s4 =	simm.s32 @!p1 $0x0  }
0xc9: {  	[tilespmem:s5], [sflag:$0xD] =	stream.linear.gather @!p1 [hbm4b:s0+s4], $0x2800, $0x38;
	[tilespmem:$0x1AF40] =	vst v63  }
0xca: {  	s4 =	sand.u32 $0xF, s1  }
0xcb: {  	p1 =	sne.s32 s4, $0xF  }
0xcc: {  	s0 =	simm.s32 @!p1 $0xD  }
0xcd: {  	_ =	swait.ge @!p1 [sflag:s0], $0x2800  }
0xce: {  	[sflag:s0] =	ssyncset.done @!p1 $0x0  }
0xcf: {  	[sflag:s0] =	ssyncadd.s32 @!p1 $0xFFFFD800  }
0xd0: {  	_ =	swait.ge [sflag:s31], $0x2800  }
0xd1: {  	[sflag:s31] =	ssyncset.done $0x0  }
0xd2: {  	s23 =	sadd.s32 $0xFFFFFFF9, s14;
	s19 =	simm.s32 $0x6;
	[sflag:s31] =	ssyncadd.s32 $0xFFFFD800  }
0xd3: {  	s12 =	simm.s32 $0xF000;
	s5 =	sadd.s32 $0x2800, s13;
	_ =	swait.ge [sflag:s19], $0x2800  }
0xd4: {  	s13 =	sadd.s32 $0xFFFFF600, s5;
	s0 =	sadd.s32 $0x4, s6;
	[sflag:s19] =	ssyncset.done $0x0  }
0xd5: {  	s6 =	sand.u32 $0x78, s23;
	[sflag:s19] =	ssyncadd.s32 $0xFFFFD800;
	s19 =	sadd.s32 $0xFFFFFFFF, s0  }
0xd6: {  	[hbm4b:s13+s3] =	stream.linear.scatter [tilespmem:s12], [sflag:$0xB], $0x5000, $0x38;
	[tilespmem:$0x1AF40] =	vst v63  }
0xd7: {  	s22 =	simm.s32 $0x9;
	s6 =	smul.u32 $0x140, s6;
	s8 =	sshll.u32 s19, $0x19  }
0xd8: {  	s8 =	sshra.s32 s8, $0x1F;
	_ =	swait.ge [sflag:s22], $0x5000  }
0xd9: {  	s6 =	sshrl.u32 s6, $0x2;
	s8 =	sand.u32 $0x2800, s8;
	[sflag:s22] =	ssyncset.done $0x0  }
0xda: {  	s6 =	sadd.s32 s6, s8;
	[sflag:s22] =	ssyncadd.s32 $0xFFFFB000  }
0xdb: {  	[tilespmem:s16], [sflag:$0x1] =	stream.indirect.gather [spmem:s2], $0x80, s6, s17, $0xb8;
	[tilespmem:$0x1AF40] =	vst v63  }
0xdc: {  	s22 =	simm.s32 $0x7800;
	s6 =	sor.u32 $0x50, s6  }
0xdd: {  	[tilespmem:s22], [sflag:$0x2] =	stream.indirect.gather [spmem:s2], $0x80, s6, s17, $0xb8;
	[tilespmem:$0x1AF40] =	vst v63  }
0xde: {  	_ =	swait.ge [sflag:s7], $0x2800  }
0xdf: {  	[sflag:s7] =	ssyncset.done $0x0  }
0xe0: {  	[sflag:s7] =	ssyncadd.s32 $0xFFFFD800  }
0xe1: {  	s23 =	sadd.s32 $0xFFFFFFFB, s14;
	_ =	swait.ge [sflag:s20], $0x2800  }
0xe2: {  	s6 =	sand.u32 $0x7A, s23;
	[sflag:s20] =	ssyncset.done $0x0  }
0xe3: {  	s0 =	sshll.u32 s0, $0x19;
	s6 =	smul.u32 $0x140, s6;
	[sflag:s20] =	ssyncadd.s32 $0xFFFFD800  }
0xe4: {  	[hbm4b:s5+s3] =	stream.linear.scatter [tilespmem:s26], [sflag:$0xC], $0x5000, $0x38;
	[tilespmem:$0x1AF40] =	vst v63  }
0xe5: {  	s0 =	sshra.s32 s0, $0x1F;
	_ =	swait.ge [sflag:s18], $0x5000  }
0xe6: {  	s0 =	sand.u32 $0x2800, s0;
	s6 =	sshrl.u32 s6, $0x2;
	[sflag:s18] =	ssyncset.done $0x0  }
0xe7: {  	s0 =	sadd.s32 s6, s0;
	[sflag:s18] =	ssyncadd.s32 $0xFFFFB000  }
0xe8: {  	[tilespmem:s25], [sflag:$0x3] =	stream.indirect.gather [spmem:s2], $0x80, s0, s17, $0xb8;
	[tilespmem:$0x1AF40] =	vst v63  }
0xe9: {  	s8 =	simm.s32 $0xC800;
	s0 =	sadd.s32 $0x50, s0  }
0xea: {  	[tilespmem:s8], [sflag:$0x4] =	stream.indirect.gather [spmem:s2], $0x80, s0, s17, $0xb8;
	[tilespmem:$0x1AF40] =	vst v63  }
0xeb: {  	_ =	swait.ge [sflag:s9], $0x2800  }
0xec: {  	[sflag:s9] =	ssyncset.done $0x0  }
0xed: {  	[sflag:s9] =	ssyncadd.s32 $0xFFFFD800  }
0xee: {  	s21 =	simm.s32 $0xB;
	s9 =	sadd.s32 $0xFFFFFFFD, s14;
	_ =	swait.ge [sflag:s10], $0x2800  }
0xef: {  	s13 =	sadd.s32 $0xA00, s5;
	s19 =	sand.u32 $0x7C, s9;
	[sflag:s10] =	ssyncset.done $0x0  }
0xf0: {  	s0 =	sshll.u32 s9, $0x18;
	s6 =	smul.u32 $0x140, s19;
	[sflag:s10] =	ssyncadd.s32 $0xFFFFD800  }
0xf1: {  	[hbm4b:s13+s3] =	stream.linear.scatter [tilespmem:s16], [sflag:$0x9], $0x5000, $0x38;
	[tilespmem:$0x1AF40] =	vst v63  }
0xf2: {  	s22 =	sadd.s32 $0xFFFFFFFE, s14;
	s0 =	sshra.s32 s0, $0x1F;
	_ =	swait.ge [sflag:s21], $0x5000  }
0xf3: {  	s0 =	sand.u32 $0x2800, s0;
	s6 =	sshrl.u32 s6, $0x2;
	[sflag:s21] =	ssyncset.done $0x0  }
0xf4: {  	s23 =	sand.u32 $0x7D, s22;
	s0 =	sadd.s32 s6, s0;
	[sflag:s21] =	ssyncadd.s32 $0xFFFFB000  }
0xf5: {  	[tilespmem:s12], [sflag:$0x5] =	stream.indirect.gather [spmem:s2], $0x80, s0, s17, $0xb8;
	[tilespmem:$0x1AF40] =	vst v63  }
0xf6: {  	s6 =	sshll.u32 s22, $0x18;
	s0 =	smul.u32 $0x140, s23  }
0xf7: {  	s6 =	sshra.s32 s6, $0x1F  }
0xf8: {  	s6 =	sand.u32 $0x2800, s6;
	s0 =	sshrl.u32 s0, $0x2  }
0xf9: {  	s9 =	simm.s32 $0x11800;
	s0 =	sadd.s32 s0, s6  }
0xfa: {  	[tilespmem:s9], [sflag:$0x6] =	stream.indirect.gather [spmem:s2], $0x80, s0, s17, $0xb8;
	[tilespmem:$0x1AF40] =	vst v63  }
0xfb: {  	p2 =	sne.s32 s4, $0x0;
	s4 =	sadd.s32 $0xFFFFFFF0, s1;
	_ =	swait.ge [sflag:s28], $0x2800  }
0xfc: {  	p3 =	sgt.u32 @!p2 s4, $0x7F;
	[sflag:s28] =	ssyncset.done $0x0  }
0xfd: {  	p1 =	por p3, p2;
	[sflag:s28] =	ssyncadd.s32 $0xFFFFD800  }
0xfe: {  	s1 =	sshrl.u32 @!p1 s1, $0x4;
	s13 =	sadd.s32 $0xFFFFFFFF, s14;
	_ =	swait.ge [sflag:s29], $0x2800  }
0xff: {  	s10 =	sadd.s32 $0x1400, s5;
	s19 =	sand.u32 $0x7E, s13;
	[sflag:s29] =	ssyncset.done $0x0  }
0x100: {  	s4 =	smul.u32 $0x140, s19;
	s0 =	sshll.u32 s13, $0x18;
	[sflag:s29] =	ssyncadd.s32 $0xFFFFD800  }
0x101: {  	[hbm4b:s10+s3] =	stream.linear.scatter [tilespmem:s25], [sflag:$0xA], $0x5000, $0x38;
	[tilespmem:$0x1AF40] =	vst v63  }
0x102: {  	s1 =	sadd.s32 @!p1 $0x1, s1;
	s0 =	sshra.s32 s0, $0x1F;
	_ =	swait.ge [sflag:s11], $0x5000  }
0x103: {  	s4 =	sshrl.u32 s4, $0x2;
	s0 =	sand.u32 $0x2800, s0;
	[sflag:s11] =	ssyncset.done $0x0  }
0x104: {  	s21 =	sand.u32 $0x7F, s14;
	s0 =	sadd.s32 s4, s0;
	[sflag:s11] =	ssyncadd.s32 $0xFFFFB000  }
0x105: {  	[tilespmem:s26], [sflag:$0x7] =	stream.indirect.gather [spmem:s2], $0x80, s0, s17, $0xb8;
	[tilespmem:$0x1AF40] =	vst v63  }
0x106: {  	s4 =	smul.u32 $0x140, s21;
	s0 =	sand.u32 @!p1 $0x1, s1  }
0x107: {  	s22 =	sshll.u32 s14, $0x18;
	s1 =	smul.u32 @!p1 $0x2800, s1;
	p4 =	seq.s32 @!p1 s0, $0x1  }
0x108: {  	s4 =	sshrl.u32 s4, $0x2;
	s0 =	sshra.s32 s22, $0x1F;
	p3 =	por @!p2 !p4, p3  }
0x109: {  	s1 =	sadd.s32 @!p1 s30, s1;
	s0 =	sand.u32 $0x2800, s0;
	p2 =	por !p3, p2  }
0x10a: {  	s1 =	sshrl.u32 @!p1 s1, $0x3;
	s0 =	sadd.s32 s4, s0;
	s4 =	simm.s32 @!p1 $0x2800  }
0x10b: {  	[tilespmem:s15], [sflag:$0x8] =	stream.indirect.gather [spmem:s2], $0x80, s0, s17, $0xb8;
	[tilespmem:$0x1AF40] =	vst v63  }
0x10c: {  	s0 =	sadd.s32 @!p1 s24, s1;
	s4 =	simm.s32 @!p2 $0x0;
	s1 =	simm.s32 @!p1 $0x0  }
0x10d: {  	[tilespmem:s4], [sflag:$0xD] =	stream.linear.gather @!p1 [hbm4b:s0+s1], $0x2800, $0x38;
	[tilespmem:$0x1AF40] =	vst v63  }
0x10e: {  	_ =	swait.ge [sflag:s31], $0x2800  }
0x10f: {  	[sflag:s31] =	ssyncset.done $0x0  }
0x110: {  	s9 =	simm.s32 $0x6;
	[sflag:s31] =	ssyncadd.s32 $0xFFFFD800  }
0x111: {  	_ =	swait.ge [sflag:s9], $0x2800  }
0x112: {  	[sflag:s9] =	ssyncset.done $0x0  }
0x113: {  	s8 =	simm.s32 $0xF000;
	s23 =	rddreg [dreg:$0x9];
	[sflag:s9] =	ssyncadd.s32 $0xFFFFD800  }
0x114: {  	[hbm4b:s23+s3] =	stream.linear.scatter [tilespmem:s8], [sflag:$0xB], $0x5000, $0x38;
	[tilespmem:$0x1AF40] =	vst v63  }
0x115: {  	_ =	swait.ge [sflag:s7], $0x2800  }
0x116: {  	[sflag:s7] =	ssyncset.done $0x0  }
0x117: {  	[sflag:s7] =	ssyncadd.s32 $0xFFFFD800  }
0x118: {  	_ =	swait.ge [sflag:s20], $0x2800  }
0x119: {  	[sflag:s20] =	ssyncset.done $0x0  }
0x11a: {  	s16 =	simm.s32 $0x9;
	s25 =	rddreg [dreg:$0xa];
	[sflag:s20] =	ssyncadd.s32 $0xFFFFD800  }
0x11b: {  	[hbm4b:s25+s3] =	stream.linear.scatter [tilespmem:s26], [sflag:$0xC], $0x5000, $0x38;
	[tilespmem:$0x1AF40] =	vst v63  }
0x11c: {  	_ =	swait.ge [sflag:s16], $0x5000  }
0x11d: {  	[sflag:s16] =	ssyncset.done $0x0  }
0x11e: {  	[sflag:s16] =	ssyncadd.s32 $0xFFFFB000  }
0x11f: {  	_ =	swait.ge [sflag:s18], $0x5000  }
0x120: {  	[sflag:s18] =	ssyncset.done $0x0  }
0x121: {  	s12 =	simm.s32 $0xB;
	[sflag:s18] =	ssyncadd.s32 $0xFFFFB000  }
0x122: {  	_ =	swait.ge [sflag:s12], $0x5000  }
0x123: {  	[sflag:s12] =	ssyncset.done $0x0  }
0x124: {  	[sflag:s12] =	ssyncadd.s32 $0xFFFFB000  }
0x125: {  	_ =	swait.ge [sflag:s11], $0x5000  }
0x126: {  	s28 =	rddreg [dreg:$0xe]  }
0x127: {  	s29 =	rddreg [dreg:$0xb];
	s1 =	sadd.s32 $0x1, s28  }
0x128: {  	p1 =	sne.s32 s1, s29  }
.Ltmp1:
0x129: {  	_ = 	snop;
	(pc) =	sbr.rel @p1 .LBB2_1-.Ltmp1, $3  }
0x12a: {  	_ =	sdelay $0x1  }
0x12b: {  	s6 =	simm.s32 $0xF000;
	[sflag:s11] =	ssyncset.done $0x0  }
0x12c: {  	s10 =	simm.s32 $0x16800;
	s8 =	simm.s32 $0x14000;
	[sflag:s11] =	ssyncadd.s32 $0xFFFFB000  }
0x12d: {  	_ =	sfence.sel $0x180000  }
0x12e: {  	[bflag:$0x0] =	sbarrier.arrive $0xFFFF  }
0x12f: {  	_ =	strace $0x90000047  }
0x130: {  	[bflag:$0x2] =	sbarrier.arrive $0xFFFF  }
0x131: {  	s0 =	rddreg [dreg:$0x4]  }
0x132: {  	s0 =	sadd.s32 @!p0 $0x100000, s0  }
0x133: {  	[sflag:s0] =	ssyncadd.tile.s32 @!p0 $0x1;
	_ =	shalt  }
.Lfunc_end2:
_tile_overlayer_lowered:
.L_overlay_start_2:
0x134: {  	(tag) =	ssettag $0x2  }
0x135: {  	s0 =	rddreg [dreg:$0x0];
	s2 =	stileid.u32  }
0x136: {  	s1 =	rddreg [dreg:$0x1];
	p0 =	sne.s32 s2, $0x0  }
0x137: {  	s3 =	rddreg [dreg:$0x2];
	[bflag:$0x3] =	sbarrier.arrive $0xFFFF;
	s2 =	simm.s32 @!p0 $0x1C0E  }
0x138: {  	[timem:s3], [sflag:s2] =	dma.local @!p0 [hbm:s0], s1  }
0x139: {  	s0 =	simm.s32 @!p0 $0xE  }
0x13a: {  	_ =	swait.ge @!p0 [sflag:s0], s1  }
0x13b: {  	s1 =	ssub.s32 @!p0 $0x0, s1;
	[sflag:s0] =	ssyncset.done @!p0 $0x0  }
0x13c: {  	[sflag:s0] =	ssyncadd.s32 @!p0 s1  }
0x13d: {  	[bflag:$0x3] =	sbarrier.arrive $0xFFFF  }
0x13e: {  	_ =	shalt  }

</sc_bundles>
